<compile_context>
chip_gen: v7x
topology: tpu7x:2x2x1
jax: 0.10.2.dev20260603
libtpu: 0.0.44.dev20260713+nightly
codegen_flags: <defaults>
</compile_context>

<pallas_src>
import functools

import jax
import jax.numpy as jnp
from jax import lax
from jax.experimental import pallas as pl
from jax.experimental.pallas import tpu as pltpu
from jax.experimental.pallas import tpu_sc as plsc

N = 100000
B = 16384
MD = 100
TD = 100
RD = 172
L = 16
NW = 32
BPW = B // NW
RANGE = 3136
NPAD = NW * RANGE

_mesh = plsc.VectorSubcoreMesh(core_axis_name="c", subcore_axis_name="s")


def _wid():
    return lax.axis_index("s") * 2 + lax.axis_index("c")



MP = 128
CH = BPW // 4


@functools.partial(
    pl.kernel,
    mesh=_mesh,
    compiler_params=pltpu.CompilerParams(needs_layout_passes=False),
    out_type=(
        jax.ShapeDtypeStruct((B, MP), jnp.int32),
        jax.ShapeDtypeStruct((B, MP), jnp.int32),
        jax.ShapeDtypeStruct((B,), jnp.float32),
        jax.ShapeDtypeStruct((B,), jnp.float32),
    ),
    scratch_types=[
        pltpu.VMEM((BPW,), jnp.int32),
        pltpu.VMEM((BPW,), jnp.int32),
        pltpu.VMEM((BPW,), jnp.int32),
        pltpu.VMEM((BPW,), jnp.int32),
        pltpu.VMEM((BPW,), jnp.int32),
        pltpu.VMEM((BPW,), jnp.int32),
        pltpu.VMEM((BPW,), jnp.int32),
        pltpu.VMEM((BPW,), jnp.int32),
        pltpu.VMEM((BPW,), jnp.int32),
        pltpu.VMEM((CH, MP), jnp.int32),
        pltpu.VMEM((CH, MP), jnp.int32),
        pltpu.VMEM((CH, MP), jnp.int32),
        pltpu.VMEM((CH, MP), jnp.int32),
        pltpu.VMEM((BPW,), jnp.int32),
        pltpu.VMEM((BPW,), jnp.float32),
        pltpu.VMEM((BPW,), jnp.float32),
        pltpu.SemaphoreType.DMA,
        pltpu.SemaphoreType.DMA,
        pltpu.SemaphoreType.DMA,
        pltpu.SemaphoreType.DMA,
        pltpu.SemaphoreType.DMA,
    ],
)
def _sc_gather(mem_hbm, lu_hbm, nid_hbm, dst_hbm, srcd_hbm, ts_hbm, td_hbm,
               h_out, oth_out, trel_out, sel_out,
               nid_v, dst_v, src_v, ts_v, td_v, idx2_v, idxl_v, tev_v, tmx_v,
               hrow_v, orow_v, hrow_v2, orow_v2, lu_v, trel_v, sel_v,
               sem1, sem2, sem3, wsem1, wsem2):
    base = _wid() * BPW
    pltpu.sync_copy(nid_hbm.at[pl.ds(base, BPW)], nid_v)
    pltpu.sync_copy(dst_hbm.at[pl.ds(base, BPW)], dst_v)
    pltpu.sync_copy(srcd_hbm.at[pl.ds(base, BPW)], src_v)
    pltpu.sync_copy(ts_hbm.at[pl.ds(base, BPW)], ts_v)
    pltpu.sync_copy(td_hbm.at[pl.ds(base, BPW)], td_v)

    def step(i, carry):
        s = pl.ds(i * L, L)
        ts = ts_v[s]
        td = td_v[s]
        nid = nid_v[s]
        sel = td >= ts
        idx2 = jnp.where(sel, src_v[s], dst_v[s])
        idxl_v[s] = jnp.where(sel, src_v[s], nid)
        tev_v[s] = jnp.where(sel, td, ts)
        par1 = nid >= N2
        par2 = idx2 >= N2
        nid_v[s] = jnp.where(par1, nid - N2, nid)
        idx2_v[s] = jnp.where(par2, idx2 - N2, idx2)
        code = (jnp.where(sel, 1.0, 0.0) + jnp.where(par1, 2.0, 0.0)
                + jnp.where(par2, 4.0, 0.0))
        sel_v[s] = code.astype(jnp.float32)
        return carry

    lax.fori_loop(0, BPW // L, step, 0)

    cp3 = pltpu.async_copy(lu_hbm.at[idxl_v], lu_v, sem3)
    hbufs = (hrow_v, hrow_v2)
    obufs = (orow_v, orow_v2)
    gsems = (sem1, sem2)
    wsems = (wsem1, wsem2)
    gd = [None, None]
    wd = {}

    def fire(c):
        i = c % 2
        if c - 2 in wd:
            for d in wd.pop(c - 2):
                d.wait()
        gd[i] = (
            pltpu.async_copy(mem_hbm.at[nid_v.at[pl.ds(c * CH, CH)]],
                             hbufs[i], gsems[i]),
            pltpu.async_copy(mem_hbm.at[idx2_v.at[pl.ds(c * CH, CH)]],
                             obufs[i], gsems[i]),
        )

    NCH = BPW // CH
    fire(0)
    fire(1)
    for c in range(NCH):
        i = c % 2
        for d in gd[i]:
            d.wait()
        wd[c] = (
            pltpu.async_copy(hbufs[i], h_out.at[pl.ds(base + c * CH, CH)],
                             wsems[i]),
            pltpu.async_copy(obufs[i], oth_out.at[pl.ds(base + c * CH, CH)],
                             wsems[i]),
        )
        if c + 2 < NCH:
            fire(c + 2)
    for c in (NCH - 2, NCH - 1):
        for d in wd.pop(c):
            d.wait()
    cp3.wait()

    def step2(i, carry):
        s = pl.ds(i * L, L)
        trel_v[s] = (tev_v[s] - lu_v[s]).astype(jnp.float32)
        return carry

    lax.fori_loop(0, BPW // L, step2, 0)

    pltpu.sync_copy(trel_v, trel_out.at[pl.ds(base, BPW)])
    pltpu.sync_copy(sel_v, sel_out.at[pl.ds(base, BPW)])



@functools.partial(
    pl.kernel,
    mesh=_mesh,
    compiler_params=pltpu.CompilerParams(needs_layout_passes=False),
    out_type=jax.ShapeDtypeStruct((NPAD,), jnp.int32),
    scratch_types=[
        pltpu.VMEM((RANGE,), jnp.int32),
        pltpu.VMEM((B,), jnp.int32),
        pltpu.VMEM((B,), jnp.int32),
        pltpu.VMEM((B,), jnp.int32),
    ],
)
def _sc_scatter_max(lupad_hbm, nid_hbm, ts_hbm, td_hbm, luout_hbm,
                    tab_v, nid_v, ts_v, td_v):
    lo = _wid() * RANGE
    pltpu.sync_copy(lupad_hbm.at[pl.ds(lo, RANGE)], tab_v)
    pltpu.sync_copy(nid_hbm, nid_v)
    pltpu.sync_copy(ts_hbm, ts_v)
    pltpu.sync_copy(td_hbm, td_v)

    def one(s):
        local = nid_v[s] - lo
        tv = jnp.maximum(ts_v[s], td_v[s])
        m = (local >= 0) & (local < RANGE)
        cur = plsc.load_gather(tab_v, [local], mask=m)
        act = m & (cur < tv)

        def cond(a):
            return jnp.any(a)

        def body(a):
            plsc.store_scatter(tab_v, [local], tv, mask=a)
            cur2 = plsc.load_gather(tab_v, [local], mask=a)
            return a & (cur2 < tv)

        lax.while_loop(cond, body, act)

    def step(i, carry):
        one(pl.ds(i * 4 * L, L))
        one(pl.ds(i * 4 * L + L, L))
        one(pl.ds(i * 4 * L + 2 * L, L))
        one(pl.ds(i * 4 * L + 3 * L, L))
        return carry

    lax.fori_loop(0, B // L // 4, step, 0)
    pltpu.sync_copy(tab_v, luout_hbm.at[pl.ds(lo, RANGE)])



@functools.partial(
    pl.kernel,
    mesh=_mesh,
    compiler_params=pltpu.CompilerParams(needs_layout_passes=False),
    out_type=jax.ShapeDtypeStruct((B,), jnp.int32),
    scratch_types=[
        pltpu.VMEM((BPW,), jnp.int32),
        pltpu.VMEM((BPW,), jnp.int32),
        pltpu.SemaphoreType.DMA,
    ],
)
def _sc_last_gather(lut_hbm, nid_hbm, out_hbm, nid_v, val_v, sem):
    base = _wid() * BPW
    pltpu.sync_copy(nid_hbm.at[pl.ds(base, BPW)], nid_v)
    pltpu.async_copy(lut_hbm.at[nid_v], val_v, sem).wait()
    pltpu.sync_copy(val_v, out_hbm.at[pl.ds(base, BPW)])



N2 = N // 2
PADBLK = 10000


def _pad_body(lo_ref, hi_ref, out_ref):
    rnd = jnp.int32(32768)
    lo = jax.lax.shift_right_logical(
        jax.lax.bitcast_convert_type(lo_ref[...], jnp.int32) + rnd, 16)
    hi = (jax.lax.bitcast_convert_type(hi_ref[...], jnp.int32)
          + rnd) & jnp.int32(-65536)
    out_ref[:, 0:MD] = hi | lo


_pad_mem = pl.pallas_call(
    _pad_body,
    grid=(N2 // PADBLK,),
    in_specs=[pl.BlockSpec((PADBLK, MD), lambda i: (i, 0)),
              pl.BlockSpec((PADBLK, MD), lambda i: (i + N2 // PADBLK, 0))],
    out_specs=pl.BlockSpec((PADBLK, MP), lambda i: (i, 0)),
    out_shape=jax.ShapeDtypeStruct((N2, MP), jnp.int32),
)



BLK = 1024
G = 384


def _gru_body(sel_ref, trel_ref, h_ref, o_ref, rms_ref, rmd_ref,
              tw_ref, tb_ref, w1_ref, w2_ref, w3_ref, w4_ref,
              whh_ref, bih_ref, bhh_ref, out_ref):
    f32 = jnp.float32
    code = sel_ref[...].astype(jnp.int32)
    sel = (code & 1) > 0
    par1 = (code & 2) > 0
    par2 = (code & 4) > 0
    hp = h_ref[:, 0:MD]
    op = o_ref[:, 0:MD]

    def _unpack(p, par):
        lo = jax.lax.bitcast_convert_type(
            jax.lax.shift_left(p, jnp.int32(16)), f32)
        hi = jax.lax.bitcast_convert_type(p & jnp.int32(-65536), f32)
        return jnp.where(par, hi, lo)

    h = _unpack(hp, par1)
    o = _unpack(op, par2)
    p1 = jnp.where(sel, o, h)
    p2 = jnp.where(sel, h, o)
    p3 = jnp.where(sel, rmd_ref[...], rms_ref[...])
    tenc = jnp.cos(trel_ref[...] * tw_ref[...] + tb_ref[...])
    gi = (jnp.dot(p1, w1_ref[...], preferred_element_type=f32)
          + jnp.dot(p2, w2_ref[...], preferred_element_type=f32)
          + jnp.dot(p3, w3_ref[...], preferred_element_type=f32)
          + jnp.dot(tenc, w4_ref[...], preferred_element_type=f32)
          + bih_ref[...])
    gh = jnp.dot(h, whh_ref[...], preferred_element_type=f32) + bhh_ref[...]
    r = jax.nn.sigmoid(gi[:, 0:128] + gh[:, 0:128])
    z = jax.nn.sigmoid(gi[:, 128:256] + gh[:, 128:256])
    n = jnp.tanh(gi[:, 256:G] + r * gh[:, 256:G])
    out_ref[...] = (1.0 - z[:, 0:MD]) * n[:, 0:MD] + z[:, 0:MD] * h


_gru = pl.pallas_call(
    _gru_body,
    grid=(B // BLK,),
    in_specs=[
        pl.BlockSpec((BLK, 1), lambda i: (i, 0)),
        pl.BlockSpec((BLK, 1), lambda i: (i, 0)),
        pl.BlockSpec((BLK, MP), lambda i: (i, 0)),
        pl.BlockSpec((BLK, MP), lambda i: (i, 0)),
        pl.BlockSpec((BLK, RD), lambda i: (i, 0)),
        pl.BlockSpec((BLK, RD), lambda i: (i, 0)),
        pl.BlockSpec((1, TD), lambda i: (0, 0)),
        pl.BlockSpec((1, TD), lambda i: (0, 0)),
        pl.BlockSpec((MD, G), lambda i: (0, 0)),
        pl.BlockSpec((MD, G), lambda i: (0, 0)),
        pl.BlockSpec((RD, G), lambda i: (0, 0)),
        pl.BlockSpec((TD, G), lambda i: (0, 0)),
        pl.BlockSpec((MD, G), lambda i: (0, 0)),
        pl.BlockSpec((1, G), lambda i: (0, 0)),
        pl.BlockSpec((1, G), lambda i: (0, 0)),
    ],
    out_specs=pl.BlockSpec((BLK, MD), lambda i: (i, 0)),
    out_shape=jax.ShapeDtypeStruct((B, MD), jnp.float32),
)


def _pad_gates(w):
    lead = w.shape[:-1]
    return jnp.pad(w.reshape(lead + (3, MD)),
                   [(0, 0)] * len(lead) + [(0, 0), (0, 28)]).reshape(lead + (G,))


def kernel(memory, last_update, n_id, dst_s, src_d, t_s, t_d,
           raw_msg_s, raw_msg_d, time_w, time_b, W_ih, W_hh, b_ih, b_hh):
    lu_pad = jnp.pad(last_update, (0, NPAD - N))
    lu_tab = _sc_scatter_max(lu_pad, n_id, t_s, t_d)
    new_last = _sc_last_gather(lu_tab, n_id)

    mem_p = _pad_mem(memory, memory)
    h_rows, oth_rows, trel, sel = _sc_gather(
        mem_p, last_update, n_id, dst_s, src_d, t_s, t_d)

    w_iht = _pad_gates(W_ih.T)
    w1 = w_iht[0:MD]
    w2 = w_iht[MD:2 * MD]
    w3 = w_iht[2 * MD:2 * MD + RD]
    w4 = w_iht[2 * MD + RD:]
    whh = _pad_gates(W_hh.T)
    bih = _pad_gates(b_ih).reshape(1, G)
    bhh = _pad_gates(b_hh).reshape(1, G)

    new_mem = _gru(sel.reshape(B, 1), trel.reshape(B, 1), h_rows, oth_rows,
                   raw_msg_s, raw_msg_d,
                   time_w.reshape(1, TD), time_b.reshape(1, TD),
                   w1, w2, w3, w4, whh, bih, bhh)
    return new_mem, new_last

# --- scband reference (transcript-rebuilt; emitter-appended) ---
"""Pipeline reference for scband-tgn-39754217292129 (READ-ONLY COPY).

The authoritative reference and input builder live on the scoring server;
editing this copy changes nothing except your own understanding.
"""

import jax, jax.numpy as jnp
import numpy as np

N = 100000   # num_nodes
B = 16384    # events / |n_id|
MD = 100     # memory_dim
TD = 100     # time_dim
RD = 172     # raw_msg_dim
MSG_DIM = 2 * MD + RD + TD  # IdentityMessage.out_channels = 472


def gru_cell(x, h, W_ih, W_hh, b_ih, b_hh):
    gi = x @ W_ih.T + b_ih
    gh = h @ W_hh.T + b_hh
    i_r, i_z, i_n = jnp.split(gi, 3, axis=1)
    h_r, h_z, h_n = jnp.split(gh, 3, axis=1)
    r = jax.nn.sigmoid(i_r + h_r)
    z = jax.nn.sigmoid(i_z + h_z)
    n = jnp.tanh(i_n + r * h_n)
    return (1.0 - z) * n + z * h


def setup_inputs(seed: int = 0) -> dict:
    key = jax.random.key(seed)
    ks = jax.random.split(key, 16)
    memory = jax.random.normal(ks[0], (N, MD), dtype=jnp.float32)
    last_update = jax.random.randint(ks[1], (N,), 0, 100000, dtype=jnp.int32)
    n_id = jax.random.randint(ks[2], (B,), 0, N, dtype=jnp.int32)
    dst_s = jax.random.randint(ks[3], (B,), 0, N, dtype=jnp.int32)
    src_d = jax.random.randint(ks[4], (B,), 0, N, dtype=jnp.int32)
    t_s = jax.random.randint(ks[5], (B,), 100000, 200000, dtype=jnp.int32)
    t_d = jax.random.randint(ks[6], (B,), 100000, 200000, dtype=jnp.int32)
    raw_msg_s = jax.random.normal(ks[7], (B, RD), dtype=jnp.float32)
    raw_msg_d = jax.random.normal(ks[8], (B, RD), dtype=jnp.float32)
    time_w = jax.random.normal(ks[9], (TD,), dtype=jnp.float32) * 0.1
    time_b = jax.random.normal(ks[10], (TD,), dtype=jnp.float32) * 0.1
    s = 0.05
    W_ih = jax.random.normal(ks[11], (3 * MD, MSG_DIM), dtype=jnp.float32) * s
    W_hh = jax.random.normal(ks[12], (3 * MD, MD), dtype=jnp.float32) * s
    b_ih = jax.random.normal(ks[13], (3 * MD,), dtype=jnp.float32) * s
    b_hh = jax.random.normal(ks[14], (3 * MD,), dtype=jnp.float32) * s
    return {
        'memory': memory, 'last_update': last_update, 'n_id': n_id,
        'dst_s': dst_s, 'src_d': src_d, 't_s': t_s, 't_d': t_d,
        'raw_msg_s': raw_msg_s, 'raw_msg_d': raw_msg_d,
        'time_w': time_w, 'time_b': time_b,
        'W_ih': W_ih, 'W_hh': W_hh, 'b_ih': b_ih, 'b_hh': b_hh,
    }


def reference(memory, last_update, n_id, dst_s, src_d, t_s, t_d,
              raw_msg_s, raw_msg_d, time_w, time_b, W_ih, W_hh, b_ih, b_hh):
    # TGN.forward(n_id, t) in train mode == get_updated_memory(n_id, t),
    # with the msg_s/msg_d stores flattened: each n_id[i] owns one source-store
    # message (src=n_id[i], dst=dst_s[i], t_s[i], raw_msg_s[i]) and one
    # dest-store message (src=src_d[i], dst=n_id[i], t_d[i], raw_msg_d[i]).
    # --- compute_messages for the source store ---
    t_rel_s = (t_s - last_update[n_id]).astype(jnp.float32)
    t_enc_s = jnp.cos(t_rel_s[:, None] * time_w[None, :] + time_b[None, :])
    msg_s = jnp.concatenate([memory[n_id], memory[dst_s], raw_msg_s, t_enc_s], axis=1)
    # --- compute_messages for the destination store ---
    t_rel_d = (t_d - last_update[src_d]).astype(jnp.float32)
    t_enc_d = jnp.cos(t_rel_d[:, None] * time_w[None, :] + time_b[None, :])
    msg_d = jnp.concatenate([memory[src_d], memory[n_id], raw_msg_d, t_enc_d], axis=1)
    # --- aggregate (LastAggregator: keep message with the largest timestamp) ---
    loc = jnp.arange(B, dtype=jnp.int32)  # assoc[n_id]
    idx = jnp.concatenate([loc, loc], axis=0)
    msg = jnp.concatenate([msg_s, msg_d], axis=0)
    t = jnp.concatenate([t_s, t_d], axis=0)
    max_t = jax.ops.segment_max(t, idx, num_segments=B)
    is_max = t == max_t[idx]
    pos = jnp.arange(2 * B, dtype=jnp.int32)
    win_pos = jax.ops.segment_max(jnp.where(is_max, pos, -1), idx, num_segments=B)
    sel = (pos == win_pos[idx]) & is_max
    aggr = jnp.zeros((B, MSG_DIM), dtype=msg.dtype).at[idx].add(msg * sel[:, None].astype(msg.dtype))
    # --- GRU memory update ---
    new_mem = gru_cell(aggr, memory[n_id], W_ih, W_hh, b_ih, b_hh)
    # --- last_update = self.last_update.scatter(0, idx, t)[n_id] (max for determinism) ---
    idx_global = jnp.concatenate([n_id, n_id], axis=0)
    lu = last_update.at[idx_global].max(t)
    new_last = lu[n_id]
    return new_mem, new_last


if False:  # reference __main__ guard neutralized (emitter)
    out = reference(**setup_inputs())
    print(out[0].shape, out[1].shape)

if __name__ == "__main__":
    import jax
    _d = setup_inputs()
    print(jax.jit(kernel)(*tuple(_d.values())))

</pallas_src>

<mosaic_0001>
#map = affine_map<(d0, d1) -> (0)>
module attributes {stable_mosaic.version = 14 : i64} {
  func.func @_sc_last_gather(%arg0: i32, %arg1: i32, %arg2: memref<100352xi32, #tpu.memory_space<hbm>>, %arg3: memref<16384xi32, #tpu.memory_space<hbm>>, %arg4: memref<16384xi32, #tpu.memory_space<hbm>>, %arg5: memref<512xi32, #tpu.memory_space<vmem>>, %arg6: memref<512xi32, #tpu.memory_space<vmem>>, %arg7: memref<!tpu.dma_semaphore, #tpu.memory_space<semaphore_mem>>) attributes {dimension_semantics = [#tpu.dimension_semantics<core_parallel>, #tpu.dimension_semantics<subcore_parallel>], iteration_bounds = array<i64: 2, 16>, scalar_prefetch = 0 : i64, scratch_operands = 3 : i64, tpu.core_type = #tpu.core_type<sc_vector_subcore>, window_params = [{transform_indices = #map}, {transform_indices = #map}, {transform_indices = #map}]} {
    %mul3A = arith.constant 2 : i32
    %mul3A_0 = arith.muli %arg1, %mul3A : i32
    %add3A = arith.addi %mul3A_0, %arg0 : i32
    %mul3A_1 = arith.constant 512 : i32
    %mul3A_2 = arith.muli %add3A, %mul3A_1 : i32
    "tpu.region"() ({
      %run_scoped3A = tpu.sem_alloc : memref<!tpu.dma_semaphore, #tpu.memory_space<semaphore_mem>>
      %dma_start3A_5 = tpu.memref_slice %arg3[%mul3A_2] : memref<16384xi32, #tpu.memory_space<hbm>> -> memref<512xi32, #tpu.memory_space<hbm>>
      %dma_start3A_6 = tpu.memref_slice %arg3[%mul3A_2] : memref<16384xi32, #tpu.memory_space<hbm>> -> memref<512xi32, #tpu.memory_space<hbm>>
      tpu.enqueue_dma source(%dma_start3A_6 : memref<512xi32, #tpu.memory_space<hbm>>) target(%arg5 : memref<512xi32, #tpu.memory_space<vmem>>) target_semaphore(%run_scoped3A : memref<!tpu.dma_semaphore, #tpu.memory_space<semaphore_mem>>)
      %dma_wait3A_7 = tpu.memref_slice %arg3[%mul3A_2] : memref<16384xi32, #tpu.memory_space<hbm>> -> memref<512xi32, #tpu.memory_space<hbm>>
      %dma_wait3A_8 = tpu.memref_slice %arg3[%mul3A_2] : memref<16384xi32, #tpu.memory_space<hbm>> -> memref<512xi32, #tpu.memory_space<hbm>>
      tpu.wait_dma2 semaphore(%run_scoped3A : memref<!tpu.dma_semaphore, #tpu.memory_space<semaphore_mem>>) src(%dma_wait3A_8 : memref<512xi32, #tpu.memory_space<hbm>>) dst(%arg5 : memref<512xi32, #tpu.memory_space<vmem>>)
      tpu.yield
    }) : () -> ()
    %dma_start3A = arith.constant 0 : i32
    %dma_start3A_3 = tpu.memref_slice %arg2[%dma_start3A] : memref<100352xi32, #tpu.memory_space<hbm>> -> memref<100352xi32, #tpu.memory_space<hbm>>
    tpu.enqueue_indirect_dma source(%dma_start3A_3 : memref<100352xi32, #tpu.memory_space<hbm>>) target(%arg6 : memref<512xi32, #tpu.memory_space<vmem>>) offsets(%arg5 : memref<512xi32, #tpu.memory_space<vmem>>) semaphore(%arg7 : memref<!tpu.dma_semaphore, #tpu.memory_space<semaphore_mem>>)
    %dma_wait3A = arith.constant 0 : i32
    %dma_wait3A_4 = tpu.memref_slice %arg2[%dma_wait3A] : memref<100352xi32, #tpu.memory_space<hbm>> -> memref<100352xi32, #tpu.memory_space<hbm>>
    tpu.wait_indirect_dma semaphore(%arg7 : memref<!tpu.dma_semaphore, #tpu.memory_space<semaphore_mem>>) src(%dma_wait3A_4 : memref<100352xi32, #tpu.memory_space<hbm>>) dst(%arg6 : memref<512xi32, #tpu.memory_space<vmem>>)
    "tpu.region"() ({
      %run_scoped3A = tpu.sem_alloc : memref<!tpu.dma_semaphore, #tpu.memory_space<semaphore_mem>>
      %dma_start3A_5 = tpu.memref_slice %arg4[%mul3A_2] : memref<16384xi32, #tpu.memory_space<hbm>> -> memref<512xi32, #tpu.memory_space<hbm>>
      %dma_start3A_6 = tpu.memref_slice %arg4[%mul3A_2] : memref<16384xi32, #tpu.memory_space<hbm>> -> memref<512xi32, #tpu.memory_space<hbm>>
      tpu.enqueue_dma source(%arg6 : memref<512xi32, #tpu.memory_space<vmem>>) target(%dma_start3A_6 : memref<512xi32, #tpu.memory_space<hbm>>) target_semaphore(%run_scoped3A : memref<!tpu.dma_semaphore, #tpu.memory_space<semaphore_mem>>)
      %dma_wait3A_7 = tpu.memref_slice %arg4[%mul3A_2] : memref<16384xi32, #tpu.memory_space<hbm>> -> memref<512xi32, #tpu.memory_space<hbm>>
      %dma_wait3A_8 = tpu.memref_slice %arg4[%mul3A_2] : memref<16384xi32, #tpu.memory_space<hbm>> -> memref<512xi32, #tpu.memory_space<hbm>>
      tpu.wait_dma2 semaphore(%run_scoped3A : memref<!tpu.dma_semaphore, #tpu.memory_space<semaphore_mem>>) src(%arg6 : memref<512xi32, #tpu.memory_space<vmem>>) dst(%dma_wait3A_8 : memref<512xi32, #tpu.memory_space<hbm>>)
      tpu.yield
    }) : () -> ()
    return
  }
}

#map = affine_map<(d0, d1) -> (0, 0)>
#map1 = affine_map<(d0, d1) -> (0)>
module attributes {stable_mosaic.version = 14 : i64} {
  func.func @_sc_gather(%arg0: i32, %arg1: i32, %arg2: memref<50000x128xi32, #tpu.memory_space<hbm>>, %arg3: memref<100000xi32, #tpu.memory_space<hbm>>, %arg4: memref<16384xi32, #tpu.memory_space<hbm>>, %arg5: memref<16384xi32, #tpu.memory_space<hbm>>, %arg6: memref<16384xi32, #tpu.memory_space<hbm>>, %arg7: memref<16384xi32, #tpu.memory_space<hbm>>, %arg8: memref<16384xi32, #tpu.memory_space<hbm>>, %arg9: memref<16384x128xi32, #tpu.memory_space<hbm>>, %arg10: memref<16384x128xi32, #tpu.memory_space<hbm>>, %arg11: memref<16384xf32, #tpu.memory_space<hbm>>, %arg12: memref<16384xf32, #tpu.memory_space<hbm>>, %arg13: memref<512xi32, #tpu.memory_space<vmem>>, %arg14: memref<512xi32, #tpu.memory_space<vmem>>, %arg15: memref<512xi32, #tpu.memory_space<vmem>>, %arg16: memref<512xi32, #tpu.memory_space<vmem>>, %arg17: memref<512xi32, #tpu.memory_space<vmem>>, %arg18: memref<512xi32, #tpu.memory_space<vmem>>, %arg19: memref<512xi32, #tpu.memory_space<vmem>>, %arg20: memref<512xi32, #tpu.memory_space<vmem>>, %arg21: memref<512xi32, #tpu.memory_space<vmem>>, %arg22: memref<128x128xi32, #tpu.memory_space<vmem>>, %arg23: memref<128x128xi32, #tpu.memory_space<vmem>>, %arg24: memref<128x128xi32, #tpu.memory_space<vmem>>, %arg25: memref<128x128xi32, #tpu.memory_space<vmem>>, %arg26: memref<512xi32, #tpu.memory_space<vmem>>, %arg27: memref<512xf32, #tpu.memory_space<vmem>>, %arg28: memref<512xf32, #tpu.memory_space<vmem>>, %arg29: memref<!tpu.dma_semaphore, #tpu.memory_space<semaphore_mem>>, %arg30: memref<!tpu.dma_semaphore, #tpu.memory_space<semaphore_mem>>, %arg31: memref<!tpu.dma_semaphore, #tpu.memory_space<semaphore_mem>>, %arg32: memref<!tpu.dma_semaphore, #tpu.memory_space<semaphore_mem>>, %arg33: memref<!tpu.dma_semaphore, #tpu.memory_space<semaphore_mem>>) attributes {dimension_semantics = [#tpu.dimension_semantics<core_parallel>, #tpu.dimension_semantics<subcore_parallel>], iteration_bounds = array<i64: 2, 16>, scalar_prefetch = 0 : i64, scratch_operands = 21 : i64, tpu.core_type = #tpu.core_type<sc_vector_subcore>, window_params = [{transform_indices = #map}, {transform_indices = #map1}, {transform_indices = #map1}, {transform_indices = #map1}, {transform_indices = #map1}, {transform_indices = #map1}, {transform_indices = #map1}, {transform_indices = #map}, {transform_indices = #map}, {transform_indices = #map1}, {transform_indices = #map1}]} {
    %mul3A = arith.constant 2 : i32
    %mul3A_0 = arith.muli %arg1, %mul3A : i32
    %add3A = arith.addi %mul3A_0, %arg0 : i32
    %mul3A_1 = arith.constant 512 : i32
    %mul3A_2 = arith.muli %add3A, %mul3A_1 : i32
    "tpu.region"() ({
      %run_scoped3A = tpu.sem_alloc : memref<!tpu.dma_semaphore, #tpu.memory_space<semaphore_mem>>
      %dma_start3A_176 = tpu.memref_slice %arg4[%mul3A_2] : memref<16384xi32, #tpu.memory_space<hbm>> -> memref<512xi32, #tpu.memory_space<hbm>>
      %dma_start3A_177 = tpu.memref_slice %arg4[%mul3A_2] : memref<16384xi32, #tpu.memory_space<hbm>> -> memref<512xi32, #tpu.memory_space<hbm>>
      tpu.enqueue_dma source(%dma_start3A_177 : memref<512xi32, #tpu.memory_space<hbm>>) target(%arg13 : memref<512xi32, #tpu.memory_space<vmem>>) target_semaphore(%run_scoped3A : memref<!tpu.dma_semaphore, #tpu.memory_space<semaphore_mem>>)
      %dma_wait3A_178 = tpu.memref_slice %arg4[%mul3A_2] : memref<16384xi32, #tpu.memory_space<hbm>> -> memref<512xi32, #tpu.memory_space<hbm>>
      %dma_wait3A_179 = tpu.memref_slice %arg4[%mul3A_2] : memref<16384xi32, #tpu.memory_space<hbm>> -> memref<512xi32, #tpu.memory_space<hbm>>
      tpu.wait_dma2 semaphore(%run_scoped3A : memref<!tpu.dma_semaphore, #tpu.memory_space<semaphore_mem>>) src(%dma_wait3A_179 : memref<512xi32, #tpu.memory_space<hbm>>) dst(%arg13 : memref<512xi32, #tpu.memory_space<vmem>>)
      tpu.yield
    }) : () -> ()
    "tpu.region"() ({
      %run_scoped3A = tpu.sem_alloc : memref<!tpu.dma_semaphore, #tpu.memory_space<semaphore_mem>>
      %dma_start3A_176 = tpu.memref_slice %arg5[%mul3A_2] : memref<16384xi32, #tpu.memory_space<hbm>> -> memref<512xi32, #tpu.memory_space<hbm>>
      %dma_start3A_177 = tpu.memref_slice %arg5[%mul3A_2] : memref<16384xi32, #tpu.memory_space<hbm>> -> memref<512xi32, #tpu.memory_space<hbm>>
      tpu.enqueue_dma source(%dma_start3A_177 : memref<512xi32, #tpu.memory_space<hbm>>) target(%arg14 : memref<512xi32, #tpu.memory_space<vmem>>) target_semaphore(%run_scoped3A : memref<!tpu.dma_semaphore, #tpu.memory_space<semaphore_mem>>)
      %dma_wait3A_178 = tpu.memref_slice %arg5[%mul3A_2] : memref<16384xi32, #tpu.memory_space<hbm>> -> memref<512xi32, #tpu.memory_space<hbm>>
      %dma_wait3A_179 = tpu.memref_slice %arg5[%mul3A_2] : memref<16384xi32, #tpu.memory_space<hbm>> -> memref<512xi32, #tpu.memory_space<hbm>>
      tpu.wait_dma2 semaphore(%run_scoped3A : memref<!tpu.dma_semaphore, #tpu.memory_space<semaphore_mem>>) src(%dma_wait3A_179 : memref<512xi32, #tpu.memory_space<hbm>>) dst(%arg14 : memref<512xi32, #tpu.memory_space<vmem>>)
      tpu.yield
    }) : () -> ()
    "tpu.region"() ({
      %run_scoped3A = tpu.sem_alloc : memref<!tpu.dma_semaphore, #tpu.memory_space<semaphore_mem>>
      %dma_start3A_176 = tpu.memref_slice %arg6[%mul3A_2] : memref<16384xi32, #tpu.memory_space<hbm>> -> memref<512xi32, #tpu.memory_space<hbm>>
      %dma_start3A_177 = tpu.memref_slice %arg6[%mul3A_2] : memref<16384xi32, #tpu.memory_space<hbm>> -> memref<512xi32, #tpu.memory_space<hbm>>
      tpu.enqueue_dma source(%dma_start3A_177 : memref<512xi32, #tpu.memory_space<hbm>>) target(%arg15 : memref<512xi32, #tpu.memory_space<vmem>>) target_semaphore(%run_scoped3A : memref<!tpu.dma_semaphore, #tpu.memory_space<semaphore_mem>>)
      %dma_wait3A_178 = tpu.memref_slice %arg6[%mul3A_2] : memref<16384xi32, #tpu.memory_space<hbm>> -> memref<512xi32, #tpu.memory_space<hbm>>
      %dma_wait3A_179 = tpu.memref_slice %arg6[%mul3A_2] : memref<16384xi32, #tpu.memory_space<hbm>> -> memref<512xi32, #tpu.memory_space<hbm>>
      tpu.wait_dma2 semaphore(%run_scoped3A : memref<!tpu.dma_semaphore, #tpu.memory_space<semaphore_mem>>) src(%dma_wait3A_179 : memref<512xi32, #tpu.memory_space<hbm>>) dst(%arg15 : memref<512xi32, #tpu.memory_space<vmem>>)
      tpu.yield
    }) : () -> ()
    "tpu.region"() ({
      %run_scoped3A = tpu.sem_alloc : memref<!tpu.dma_semaphore, #tpu.memory_space<semaphore_mem>>
      %dma_start3A_176 = tpu.memref_slice %arg7[%mul3A_2] : memref<16384xi32, #tpu.memory_space<hbm>> -> memref<512xi32, #tpu.memory_space<hbm>>
      %dma_start3A_177 = tpu.memref_slice %arg7[%mul3A_2] : memref<16384xi32, #tpu.memory_space<hbm>> -> memref<512xi32, #tpu.memory_space<hbm>>
      tpu.enqueue_dma source(%dma_start3A_177 : memref<512xi32, #tpu.memory_space<hbm>>) target(%arg16 : memref<512xi32, #tpu.memory_space<vmem>>) target_semaphore(%run_scoped3A : memref<!tpu.dma_semaphore, #tpu.memory_space<semaphore_mem>>)
      %dma_wait3A_178 = tpu.memref_slice %arg7[%mul3A_2] : memref<16384xi32, #tpu.memory_space<hbm>> -> memref<512xi32, #tpu.memory_space<hbm>>
      %dma_wait3A_179 = tpu.memref_slice %arg7[%mul3A_2] : memref<16384xi32, #tpu.memory_space<hbm>> -> memref<512xi32, #tpu.memory_space<hbm>>
      tpu.wait_dma2 semaphore(%run_scoped3A : memref<!tpu.dma_semaphore, #tpu.memory_space<semaphore_mem>>) src(%dma_wait3A_179 : memref<512xi32, #tpu.memory_space<hbm>>) dst(%arg16 : memref<512xi32, #tpu.memory_space<vmem>>)
      tpu.yield
    }) : () -> ()
    "tpu.region"() ({
      %run_scoped3A = tpu.sem_alloc : memref<!tpu.dma_semaphore, #tpu.memory_space<semaphore_mem>>
      %dma_start3A_176 = tpu.memref_slice %arg8[%mul3A_2] : memref<16384xi32, #tpu.memory_space<hbm>> -> memref<512xi32, #tpu.memory_space<hbm>>
      %dma_start3A_177 = tpu.memref_slice %arg8[%mul3A_2] : memref<16384xi32, #tpu.memory_space<hbm>> -> memref<512xi32, #tpu.memory_space<hbm>>
      tpu.enqueue_dma source(%dma_start3A_177 : memref<512xi32, #tpu.memory_space<hbm>>) target(%arg17 : memref<512xi32, #tpu.memory_space<vmem>>) target_semaphore(%run_scoped3A : memref<!tpu.dma_semaphore, #tpu.memory_space<semaphore_mem>>)
      %dma_wait3A_178 = tpu.memref_slice %arg8[%mul3A_2] : memref<16384xi32, #tpu.memory_space<hbm>> -> memref<512xi32, #tpu.memory_space<hbm>>
      %dma_wait3A_179 = tpu.memref_slice %arg8[%mul3A_2] : memref<16384xi32, #tpu.memory_space<hbm>> -> memref<512xi32, #tpu.memory_space<hbm>>
      tpu.wait_dma2 semaphore(%run_scoped3A : memref<!tpu.dma_semaphore, #tpu.memory_space<semaphore_mem>>) src(%dma_wait3A_179 : memref<512xi32, #tpu.memory_space<hbm>>) dst(%arg17 : memref<512xi32, #tpu.memory_space<vmem>>)
      tpu.yield
    }) : () -> ()
    %scan3A = arith.constant 0 : i32
    %scan3A_3 = arith.constant 0 : i32
    %scan3A_4 = arith.constant 32 : i32
    %scan3A_5 = arith.addi %scan3A_3, %scan3A_4 : i32
    %scan3A_6 = arith.constant 1 : i32
    scf.for %scan3A_176 = %scan3A_3 to %scan3A_5 step %scan3A_6  : i32 {
      %mul3A_177 = arith.constant 16 : i32
      %mul3A_178 = arith.muli %scan3A_176, %mul3A_177 : i32
      %get3A = arith.index_cast %mul3A_178 : i32 to index
      %get3A_179 = tpu.vector_load %arg16[%get3A] {strides = array<i32>} : memref<512xi32, #tpu.memory_space<vmem>>, vector<16xi32>,
      %get3A_180 = arith.index_cast %mul3A_178 : i32 to index
      %get3A_181 = tpu.vector_load %arg17[%get3A_180] {strides = array<i32>} : memref<512xi32, #tpu.memory_space<vmem>>, vector<16xi32>,
      %get3A_182 = arith.index_cast %mul3A_178 : i32 to index
      %get3A_183 = tpu.vector_load %arg13[%get3A_182] {strides = array<i32>} : memref<512xi32, #tpu.memory_space<vmem>>, vector<16xi32>,
      %ge3A = arith.cmpi sge, %get3A_181, %get3A_179 : vector<16xi32>
      %get3A_184 = arith.index_cast %mul3A_178 : i32 to index
      %get3A_185 = tpu.vector_load %arg15[%get3A_184] {strides = array<i32>} : memref<512xi32, #tpu.memory_space<vmem>>, vector<16xi32>,
      %get3A_186 = arith.index_cast %mul3A_178 : i32 to index
      %get3A_187 = tpu.vector_load %arg14[%get3A_186] {strides = array<i32>} : memref<512xi32, #tpu.memory_space<vmem>>, vector<16xi32>,
      %select_n3A = arith.select %ge3A, %get3A_185, %get3A_187 : vector<16xi1>, vector<16xi32>
      %get3A_188 = arith.index_cast %mul3A_178 : i32 to index
      %get3A_189 = tpu.vector_load %arg15[%get3A_188] {strides = array<i32>} : memref<512xi32, #tpu.memory_space<vmem>>, vector<16xi32>,
      %select_n3A_190 = arith.select %ge3A, %get3A_189, %get3A_183 : vector<16xi1>, vector<16xi32>
      %swap3A = arith.index_cast %mul3A_178 : i32 to index
      %swap3A_191 = tpu.vector_load %arg19[%swap3A] {strides = array<i32>} : memref<512xi32, #tpu.memory_space<vmem>>, vector<16xi32>,
      tpu.vector_store %arg19[%swap3A], %select_n3A_190 {strides = array<i32>} : memref<512xi32, #tpu.memory_space<vmem>>, vector<16xi32>,
      %select_n3A_192 = arith.select %ge3A, %get3A_181, %get3A_179 : vector<16xi1>, vector<16xi32>
      %swap3A_193 = arith.index_cast %mul3A_178 : i32 to index
      %swap3A_194 = tpu.vector_load %arg20[%swap3A_193] {strides = array<i32>} : memref<512xi32, #tpu.memory_space<vmem>>, vector<16xi32>,
      tpu.vector_store %arg20[%swap3A_193], %select_n3A_192 {strides = array<i32>} : memref<512xi32, #tpu.memory_space<vmem>>, vector<16xi32>,
      %ge3A_195 = arith.constant 50000 : i32
      %ge3A_196 = vector.broadcast %ge3A_195 : i32 to vector<16xi32>
      %ge3A_197 = arith.cmpi sge, %get3A_183, %ge3A_196 : vector<16xi32>
      %ge3A_198 = arith.constant 50000 : i32
      %ge3A_199 = vector.broadcast %ge3A_198 : i32 to vector<16xi32>
      %ge3A_200 = arith.cmpi sge, %select_n3A, %ge3A_199 : vector<16xi32>
      %sub3A = arith.constant 50000 : i32
      %sub3A_201 = vector.broadcast %sub3A : i32 to vector<16xi32>
      %sub3A_202 = arith.subi %get3A_183, %sub3A_201 : vector<16xi32>
      %select_n3A_203 = arith.select %ge3A_197, %sub3A_202, %get3A_183 : vector<16xi1>, vector<16xi32>
      %swap3A_204 = arith.index_cast %mul3A_178 : i32 to index
      %swap3A_205 = tpu.vector_load %arg13[%swap3A_204] {strides = array<i32>} : memref<512xi32, #tpu.memory_space<vmem>>, vector<16xi32>,
      tpu.vector_store %arg13[%swap3A_204], %select_n3A_203 {strides = array<i32>} : memref<512xi32, #tpu.memory_space<vmem>>, vector<16xi32>,
      %sub3A_206 = arith.constant 50000 : i32
      %sub3A_207 = vector.broadcast %sub3A_206 : i32 to vector<16xi32>
      %sub3A_208 = arith.subi %select_n3A, %sub3A_207 : vector<16xi32>
      %select_n3A_209 = arith.select %ge3A_200, %sub3A_208, %select_n3A : vector<16xi1>, vector<16xi32>
      %swap3A_210 = arith.index_cast %mul3A_178 : i32 to index
      %swap3A_211 = tpu.vector_load %arg18[%swap3A_210] {strides = array<i32>} : memref<512xi32, #tpu.memory_space<vmem>>, vector<16xi32>,
      tpu.vector_store %arg18[%swap3A_210], %select_n3A_209 {strides = array<i32>} : memref<512xi32, #tpu.memory_space<vmem>>, vector<16xi32>,
      %jit3A = arith.constant 1.000000e+00 : f32
      %jit3A_212 = arith.constant 0.000000e+00 : f32
      %broadcast_in_dim3A = vector.broadcast %jit3A : f32 to vector<16xf32>
      %broadcast_in_dim3A_213 = vector.broadcast %jit3A_212 : f32 to vector<16xf32>
      %select_n3A_214 = arith.select %ge3A, %broadcast_in_dim3A, %broadcast_in_dim3A_213 : vector<16xi1>, vector<16xf32>
      %jit3A_215 = arith.constant 2.000000e+00 : f32
      %jit3A_216 = arith.constant 0.000000e+00 : f32
      %broadcast_in_dim3A_217 = vector.broadcast %jit3A_215 : f32 to vector<16xf32>
      %broadcast_in_dim3A_218 = vector.broadcast %jit3A_216 : f32 to vector<16xf32>
      %select_n3A_219 = arith.select %ge3A_197, %broadcast_in_dim3A_217, %broadcast_in_dim3A_218 : vector<16xi1>, vector<16xf32>
      %add3A_220 = arith.addf %select_n3A_214, %select_n3A_219 : vector<16xf32>
      %jit3A_221 = arith.constant 4.000000e+00 : f32
      %jit3A_222 = arith.constant 0.000000e+00 : f32
      %broadcast_in_dim3A_223 = vector.broadcast %jit3A_221 : f32 to vector<16xf32>
      %broadcast_in_dim3A_224 = vector.broadcast %jit3A_222 : f32 to vector<16xf32>
      %select_n3A_225 = arith.select %ge3A_200, %broadcast_in_dim3A_223, %broadcast_in_dim3A_224 : vector<16xi1>, vector<16xf32>
      %add3A_226 = arith.addf %add3A_220, %select_n3A_225 : vector<16xf32>
      %swap3A_227 = arith.index_cast %mul3A_178 : i32 to index
      %swap3A_228 = tpu.vector_load %arg28[%swap3A_227] {strides = array<i32>} : memref<512xf32, #tpu.memory_space<vmem>>, vector<16xf32>,
      tpu.vector_store %arg28[%swap3A_227], %add3A_226 {strides = array<i32>} : memref<512xf32, #tpu.memory_space<vmem>>, vector<16xf32>,
    }
    %scan3A_7 = arith.constant 32 : i32
    %dma_start3A = arith.constant 0 : i32
    %dma_start3A_8 = tpu.memref_slice %arg3[%dma_start3A] : memref<100000xi32, #tpu.memory_space<hbm>> -> memref<100000xi32, #tpu.memory_space<hbm>>
    tpu.enqueue_indirect_dma source(%dma_start3A_8 : memref<100000xi32, #tpu.memory_space<hbm>>) target(%arg26 : memref<512xi32, #tpu.memory_space<vmem>>) offsets(%arg19 : memref<512xi32, #tpu.memory_space<vmem>>) semaphore(%arg31 : memref<!tpu.dma_semaphore, #tpu.memory_space<semaphore_mem>>)
    %dma_start3A_9 = arith.constant 0 : i32
    %dma_start3A_10 = tpu.memref_slice %arg13[%dma_start3A_9] : memref<512xi32, #tpu.memory_space<vmem>> -> memref<128xi32, #tpu.memory_space<vmem>>
    %dma_start3A_11 = arith.constant 0 : i32
    %dma_start3A_12 = arith.constant 0 : i32
    %dma_start3A_13 = tpu.memref_slice %arg2[%dma_start3A_11, %dma_start3A_12] : memref<50000x128xi32, #tpu.memory_space<hbm>> -> memref<50000x128xi32, #tpu.memory_space<hbm>>
    tpu.enqueue_indirect_dma source(%dma_start3A_13 : memref<50000x128xi32, #tpu.memory_space<hbm>>) target(%arg22 : memref<128x128xi32, #tpu.memory_space<vmem>>) offsets(%dma_start3A_10 : memref<128xi32, #tpu.memory_space<vmem>>) semaphore(%arg29 : memref<!tpu.dma_semaphore, #tpu.memory_space<semaphore_mem>>)
    %dma_start3A_14 = arith.constant 0 : i32
    %dma_start3A_15 = tpu.memref_slice %arg18[%dma_start3A_14] : memref<512xi32, #tpu.memory_space<vmem>> -> memref<128xi32, #tpu.memory_space<vmem>>
    %dma_start3A_16 = arith.constant 0 : i32
    %dma_start3A_17 = arith.constant 0 : i32
    %dma_start3A_18 = tpu.memref_slice %arg2[%dma_start3A_16, %dma_start3A_17] : memref<50000x128xi32, #tpu.memory_space<hbm>> -> memref<50000x128xi32, #tpu.memory_space<hbm>>
    tpu.enqueue_indirect_dma source(%dma_start3A_18 : memref<50000x128xi32, #tpu.memory_space<hbm>>) target(%arg23 : memref<128x128xi32, #tpu.memory_space<vmem>>) offsets(%dma_start3A_15 : memref<128xi32, #tpu.memory_space<vmem>>) semaphore(%arg29 : memref<!tpu.dma_semaphore, #tpu.memory_space<semaphore_mem>>)
    %dma_start3A_19 = arith.constant 128 : i32
    %dma_start3A_20 = tpu.memref_slice %arg13[%dma_start3A_19] : memref<512xi32, #tpu.memory_space<vmem>> -> memref<128xi32, #tpu.memory_space<vmem>>
    %dma_start3A_21 = arith.constant 0 : i32
    %dma_start3A_22 = arith.constant 0 : i32
    %dma_start3A_23 = tpu.memref_slice %arg2[%dma_start3A_21, %dma_start3A_22] : memref<50000x128xi32, #tpu.memory_space<hbm>> -> memref<50000x128xi32, #tpu.memory_space<hbm>>
    tpu.enqueue_indirect_dma source(%dma_start3A_23 : memref<50000x128xi32, #tpu.memory_space<hbm>>) target(%arg24 : memref<128x128xi32, #tpu.memory_space<vmem>>) offsets(%dma_start3A_20 : memref<128xi32, #tpu.memory_space<vmem>>) semaphore(%arg30 : memref<!tpu.dma_semaphore, #tpu.memory_space<semaphore_mem>>)
    %dma_start3A_24 = arith.constant 128 : i32
    %dma_start3A_25 = tpu.memref_slice %arg18[%dma_start3A_24] : memref<512xi32, #tpu.memory_space<vmem>> -> memref<128xi32, #tpu.memory_space<vmem>>
    %dma_start3A_26 = arith.constant 0 : i32
    %dma_start3A_27 = arith.constant 0 : i32
    %dma_start3A_28 = tpu.memref_slice %arg2[%dma_start3A_26, %dma_start3A_27] : memref<50000x128xi32, #tpu.memory_space<hbm>> -> memref<50000x128xi32, #tpu.memory_space<hbm>>
    tpu.enqueue_indirect_dma source(%dma_start3A_28 : memref<50000x128xi32, #tpu.memory_space<hbm>>) target(%arg25 : memref<128x128xi32, #tpu.memory_space<vmem>>) offsets(%dma_start3A_25 : memref<128xi32, #tpu.memory_space<vmem>>) semaphore(%arg30 : memref<!tpu.dma_semaphore, #tpu.memory_space<semaphore_mem>>)
    %dma_wait3A = arith.constant 0 : i32
    %dma_wait3A_29 = tpu.memref_slice %arg13[%dma_wait3A] : memref<512xi32, #tpu.memory_space<vmem>> -> memref<128xi32, #tpu.memory_space<vmem>>
    %dma_wait3A_30 = arith.constant 0 : i32
    %dma_wait3A_31 = arith.constant 0 : i32
    %dma_wait3A_32 = tpu.memref_slice %arg2[%dma_wait3A_30, %dma_wait3A_31] : memref<50000x128xi32, #tpu.memory_space<hbm>> -> memref<50000x128xi32, #tpu.memory_space<hbm>>
    tpu.wait_indirect_dma semaphore(%arg29 : memref<!tpu.dma_semaphore, #tpu.memory_space<semaphore_mem>>) src(%dma_wait3A_32 : memref<50000x128xi32, #tpu.memory_space<hbm>>) dst(%arg22 : memref<128x128xi32, #tpu.memory_space<vmem>>)
    %dma_wait3A_33 = arith.constant 0 : i32
    %dma_wait3A_34 = tpu.memref_slice %arg18[%dma_wait3A_33] : memref<512xi32, #tpu.memory_space<vmem>> -> memref<128xi32, #tpu.memory_space<vmem>>
    %dma_wait3A_35 = arith.constant 0 : i32
    %dma_wait3A_36 = arith.constant 0 : i32
    %dma_wait3A_37 = tpu.memref_slice %arg2[%dma_wait3A_35, %dma_wait3A_36] : memref<50000x128xi32, #tpu.memory_space<hbm>> -> memref<50000x128xi32, #tpu.memory_space<hbm>>
    tpu.wait_indirect_dma semaphore(%arg29 : memref<!tpu.dma_semaphore, #tpu.memory_space<semaphore_mem>>) src(%dma_wait3A_37 : memref<50000x128xi32, #tpu.memory_space<hbm>>) dst(%arg23 : memref<128x128xi32, #tpu.memory_space<vmem>>)
    %add3A_38 = arith.constant 0 : i32
    %add3A_39 = arith.addi %mul3A_2, %add3A_38 : i32
    %dma_start3A_40 = arith.constant 0 : i32
    %dma_start3A_41 = tpu.memref_slice %arg9[%add3A_39, %dma_start3A_40] : memref<16384x128xi32, #tpu.memory_space<hbm>> -> memref<128x128xi32, #tpu.memory_space<hbm>>
    %dma_start3A_42 = arith.constant 0 : i32
    %dma_start3A_43 = tpu.memref_slice %arg9[%add3A_39, %dma_start3A_42] : memref<16384x128xi32, #tpu.memory_space<hbm>> -> memref<128x128xi32, #tpu.memory_space<hbm>>
    tpu.enqueue_dma source(%arg22 : memref<128x128xi32, #tpu.memory_space<vmem>>) target(%dma_start3A_43 : memref<128x128xi32, #tpu.memory_space<hbm>>) target_semaphore(%arg32 : memref<!tpu.dma_semaphore, #tpu.memory_space<semaphore_mem>>)
    %add3A_44 = arith.constant 0 : i32
    %add3A_45 = arith.addi %mul3A_2, %add3A_44 : i32
    %dma_start3A_46 = arith.constant 0 : i32
    %dma_start3A_47 = tpu.memref_slice %arg10[%add3A_45, %dma_start3A_46] : memref<16384x128xi32, #tpu.memory_space<hbm>> -> memref<128x128xi32, #tpu.memory_space<hbm>>
    %dma_start3A_48 = arith.constant 0 : i32
    %dma_start3A_49 = tpu.memref_slice %arg10[%add3A_45, %dma_start3A_48] : memref<16384x128xi32, #tpu.memory_space<hbm>> -> memref<128x128xi32, #tpu.memory_space<hbm>>
    tpu.enqueue_dma source(%arg23 : memref<128x128xi32, #tpu.memory_space<vmem>>) target(%dma_start3A_49 : memref<128x128xi32, #tpu.memory_space<hbm>>) target_semaphore(%arg32 : memref<!tpu.dma_semaphore, #tpu.memory_space<semaphore_mem>>)
    %dma_wait3A_50 = arith.constant 0 : i32
    %dma_wait3A_51 = tpu.memref_slice %arg9[%add3A_39, %dma_wait3A_50] : memref<16384x128xi32, #tpu.memory_space<hbm>> -> memref<128x128xi32, #tpu.memory_space<hbm>>
    %dma_wait3A_52 = arith.constant 0 : i32
    %dma_wait3A_53 = tpu.memref_slice %arg9[%add3A_39, %dma_wait3A_52] : memref<16384x128xi32, #tpu.memory_space<hbm>> -> memref<128x128xi32, #tpu.memory_space<hbm>>
    tpu.wait_dma2 semaphore(%arg32 : memref<!tpu.dma_semaphore, #tpu.memory_space<semaphore_mem>>) src(%arg22 : memref<128x128xi32, #tpu.memory_space<vmem>>) dst(%dma_wait3A_53 : memref<128x128xi32, #tpu.memory_space<hbm>>)
    %dma_wait3A_54 = arith.constant 0 : i32
    %dma_wait3A_55 = tpu.memref_slice %arg10[%add3A_45, %dma_wait3A_54] : memref<16384x128xi32, #tpu.memory_space<hbm>> -> memref<128x128xi32, #tpu.memory_space<hbm>>
    %dma_wait3A_56 = arith.constant 0 : i32
    %dma_wait3A_57 = tpu.memref_slice %arg10[%add3A_45, %dma_wait3A_56] : memref<16384x128xi32, #tpu.memory_space<hbm>> -> memref<128x128xi32, #tpu.memory_space<hbm>>
    tpu.wait_dma2 semaphore(%arg32 : memref<!tpu.dma_semaphore, #tpu.memory_space<semaphore_mem>>) src(%arg23 : memref<128x128xi32, #tpu.memory_space<vmem>>) dst(%dma_wait3A_57 : memref<128x128xi32, #tpu.memory_space<hbm>>)
    %dma_start3A_58 = arith.constant 256 : i32
    %dma_start3A_59 = tpu.memref_slice %arg13[%dma_start3A_58] : memref<512xi32, #tpu.memory_space<vmem>> -> memref<128xi32, #tpu.memory_space<vmem>>
    %dma_start3A_60 = arith.constant 0 : i32
    %dma_start3A_61 = arith.constant 0 : i32
    %dma_start3A_62 = tpu.memref_slice %arg2[%dma_start3A_60, %dma_start3A_61] : memref<50000x128xi32, #tpu.memory_space<hbm>> -> memref<50000x128xi32, #tpu.memory_space<hbm>>
    tpu.enqueue_indirect_dma source(%dma_start3A_62 : memref<50000x128xi32, #tpu.memory_space<hbm>>) target(%arg22 : memref<128x128xi32, #tpu.memory_space<vmem>>) offsets(%dma_start3A_59 : memref<128xi32, #tpu.memory_space<vmem>>) semaphore(%arg29 : memref<!tpu.dma_semaphore, #tpu.memory_space<semaphore_mem>>)
    %dma_start3A_63 = arith.constant 256 : i32
    %dma_start3A_64 = tpu.memref_slice %arg18[%dma_start3A_63] : memref<512xi32, #tpu.memory_space<vmem>> -> memref<128xi32, #tpu.memory_space<vmem>>
    %dma_start3A_65 = arith.constant 0 : i32
    %dma_start3A_66 = arith.constant 0 : i32
    %dma_start3A_67 = tpu.memref_slice %arg2[%dma_start3A_65, %dma_start3A_66] : memref<50000x128xi32, #tpu.memory_space<hbm>> -> memref<50000x128xi32, #tpu.memory_space<hbm>>
    tpu.enqueue_indirect_dma source(%dma_start3A_67 : memref<50000x128xi32, #tpu.memory_space<hbm>>) target(%arg23 : memref<128x128xi32, #tpu.memory_space<vmem>>) offsets(%dma_start3A_64 : memref<128xi32, #tpu.memory_space<vmem>>) semaphore(%arg29 : memref<!tpu.dma_semaphore, #tpu.memory_space<semaphore_mem>>)
    %dma_wait3A_68 = arith.constant 128 : i32
    %dma_wait3A_69 = tpu.memref_slice %arg13[%dma_wait3A_68] : memref<512xi32, #tpu.memory_space<vmem>> -> memref<128xi32, #tpu.memory_space<vmem>>
    %dma_wait3A_70 = arith.constant 0 : i32
    %dma_wait3A_71 = arith.constant 0 : i32
    %dma_wait3A_72 = tpu.memref_slice %arg2[%dma_wait3A_70, %dma_wait3A_71] : memref<50000x128xi32, #tpu.memory_space<hbm>> -> memref<50000x128xi32, #tpu.memory_space<hbm>>
    tpu.wait_indirect_dma semaphore(%arg30 : memref<!tpu.dma_semaphore, #tpu.memory_space<semaphore_mem>>) src(%dma_wait3A_72 : memref<50000x128xi32, #tpu.memory_space<hbm>>) dst(%arg24 : memref<128x128xi32, #tpu.memory_space<vmem>>)
    %dma_wait3A_73 = arith.constant 128 : i32
    %dma_wait3A_74 = tpu.memref_slice %arg18[%dma_wait3A_73] : memref<512xi32, #tpu.memory_space<vmem>> -> memref<128xi32, #tpu.memory_space<vmem>>
    %dma_wait3A_75 = arith.constant 0 : i32
    %dma_wait3A_76 = arith.constant 0 : i32
    %dma_wait3A_77 = tpu.memref_slice %arg2[%dma_wait3A_75, %dma_wait3A_76] : memref<50000x128xi32, #tpu.memory_space<hbm>> -> memref<50000x128xi32, #tpu.memory_space<hbm>>
    tpu.wait_indirect_dma semaphore(%arg30 : memref<!tpu.dma_semaphore, #tpu.memory_space<semaphore_mem>>) src(%dma_wait3A_77 : memref<50000x128xi32, #tpu.memory_space<hbm>>) dst(%arg25 : memref<128x128xi32, #tpu.memory_space<vmem>>)
    %add3A_78 = arith.constant 128 : i32
    %add3A_79 = arith.addi %mul3A_2, %add3A_78 : i32
    %dma_start3A_80 = arith.constant 0 : i32
    %dma_start3A_81 = tpu.memref_slice %arg9[%add3A_79, %dma_start3A_80] : memref<16384x128xi32, #tpu.memory_space<hbm>> -> memref<128x128xi32, #tpu.memory_space<hbm>>
    %dma_start3A_82 = arith.constant 0 : i32
    %dma_start3A_83 = tpu.memref_slice %arg9[%add3A_79, %dma_start3A_82] : memref<16384x128xi32, #tpu.memory_space<hbm>> -> memref<128x128xi32, #tpu.memory_space<hbm>>
    tpu.enqueue_dma source(%arg24 : memref<128x128xi32, #tpu.memory_space<vmem>>) target(%dma_start3A_83 : memref<128x128xi32, #tpu.memory_space<hbm>>) target_semaphore(%arg33 : memref<!tpu.dma_semaphore, #tpu.memory_space<semaphore_mem>>)
    %add3A_84 = arith.constant 128 : i32
    %add3A_85 = arith.addi %mul3A_2, %add3A_84 : i32
    %dma_start3A_86 = arith.constant 0 : i32
    %dma_start3A_87 = tpu.memref_slice %arg10[%add3A_85, %dma_start3A_86] : memref<16384x128xi32, #tpu.memory_space<hbm>> -> memref<128x128xi32, #tpu.memory_space<hbm>>
    %dma_start3A_88 = arith.constant 0 : i32
    %dma_start3A_89 = tpu.memref_slice %arg10[%add3A_85, %dma_start3A_88] : memref<16384x128xi32, #tpu.memory_space<hbm>> -> memref<128x128xi32, #tpu.memory_space<hbm>>
    tpu.enqueue_dma source(%arg25 : memref<128x128xi32, #tpu.memory_space<vmem>>) target(%dma_start3A_89 : memref<128x128xi32, #tpu.memory_space<hbm>>) target_semaphore(%arg33 : memref<!tpu.dma_semaphore, #tpu.memory_space<semaphore_mem>>)
    %dma_wait3A_90 = arith.constant 0 : i32
    %dma_wait3A_91 = tpu.memref_slice %arg9[%add3A_79, %dma_wait3A_90] : memref<16384x128xi32, #tpu.memory_space<hbm>> -> memref<128x128xi32, #tpu.memory_space<hbm>>
    %dma_wait3A_92 = arith.constant 0 : i32
    %dma_wait3A_93 = tpu.memref_slice %arg9[%add3A_79, %dma_wait3A_92] : memref<16384x128xi32, #tpu.memory_space<hbm>> -> memref<128x128xi32, #tpu.memory_space<hbm>>
    tpu.wait_dma2 semaphore(%arg33 : memref<!tpu.dma_semaphore, #tpu.memory_space<semaphore_mem>>) src(%arg24 : memref<128x128xi32, #tpu.memory_space<vmem>>) dst(%dma_wait3A_93 : memref<128x128xi32, #tpu.memory_space<hbm>>)
    %dma_wait3A_94 = arith.constant 0 : i32
    %dma_wait3A_95 = tpu.memref_slice %arg10[%add3A_85, %dma_wait3A_94] : memref<16384x128xi32, #tpu.memory_space<hbm>> -> memref<128x128xi32, #tpu.memory_space<hbm>>
    %dma_wait3A_96 = arith.constant 0 : i32
    %dma_wait3A_97 = tpu.memref_slice %arg10[%add3A_85, %dma_wait3A_96] : memref<16384x128xi32, #tpu.memory_space<hbm>> -> memref<128x128xi32, #tpu.memory_space<hbm>>
    tpu.wait_dma2 semaphore(%arg33 : memref<!tpu.dma_semaphore, #tpu.memory_space<semaphore_mem>>) src(%arg25 : memref<128x128xi32, #tpu.memory_space<vmem>>) dst(%dma_wait3A_97 : memref<128x128xi32, #tpu.memory_space<hbm>>)
    %dma_start3A_98 = arith.constant 384 : i32
    %dma_start3A_99 = tpu.memref_slice %arg13[%dma_start3A_98] : memref<512xi32, #tpu.memory_space<vmem>> -> memref<128xi32, #tpu.memory_space<vmem>>
    %dma_start3A_100 = arith.constant 0 : i32
    %dma_start3A_101 = arith.constant 0 : i32
    %dma_start3A_102 = tpu.memref_slice %arg2[%dma_start3A_100, %dma_start3A_101] : memref<50000x128xi32, #tpu.memory_space<hbm>> -> memref<50000x128xi32, #tpu.memory_space<hbm>>
    tpu.enqueue_indirect_dma source(%dma_start3A_102 : memref<50000x128xi32, #tpu.memory_space<hbm>>) target(%arg24 : memref<128x128xi32, #tpu.memory_space<vmem>>) offsets(%dma_start3A_99 : memref<128xi32, #tpu.memory_space<vmem>>) semaphore(%arg30 : memref<!tpu.dma_semaphore, #tpu.memory_space<semaphore_mem>>)
    %dma_start3A_103 = arith.constant 384 : i32
    %dma_start3A_104 = tpu.memref_slice %arg18[%dma_start3A_103] : memref<512xi32, #tpu.memory_space<vmem>> -> memref<128xi32, #tpu.memory_space<vmem>>
    %dma_start3A_105 = arith.constant 0 : i32
    %dma_start3A_106 = arith.constant 0 : i32
    %dma_start3A_107 = tpu.memref_slice %arg2[%dma_start3A_105, %dma_start3A_106] : memref<50000x128xi32, #tpu.memory_space<hbm>> -> memref<50000x128xi32, #tpu.memory_space<hbm>>
    tpu.enqueue_indirect_dma source(%dma_start3A_107 : memref<50000x128xi32, #tpu.memory_space<hbm>>) target(%arg25 : memref<128x128xi32, #tpu.memory_space<vmem>>) offsets(%dma_start3A_104 : memref<128xi32, #tpu.memory_space<vmem>>) semaphore(%arg30 : memref<!tpu.dma_semaphore, #tpu.memory_space<semaphore_mem>>)
    %dma_wait3A_108 = arith.constant 256 : i32
    %dma_wait3A_109 = tpu.memref_slice %arg13[%dma_wait3A_108] : memref<512xi32, #tpu.memory_space<vmem>> -> memref<128xi32, #tpu.memory_space<vmem>>
    %dma_wait3A_110 = arith.constant 0 : i32
    %dma_wait3A_111 = arith.constant 0 : i32
    %dma_wait3A_112 = tpu.memref_slice %arg2[%dma_wait3A_110, %dma_wait3A_111] : memref<50000x128xi32, #tpu.memory_space<hbm>> -> memref<50000x128xi32, #tpu.memory_space<hbm>>
    tpu.wait_indirect_dma semaphore(%arg29 : memref<!tpu.dma_semaphore, #tpu.memory_space<semaphore_mem>>) src(%dma_wait3A_112 : memref<50000x128xi32, #tpu.memory_space<hbm>>) dst(%arg22 : memref<128x128xi32, #tpu.memory_space<vmem>>)
    %dma_wait3A_113 = arith.constant 256 : i32
    %dma_wait3A_114 = tpu.memref_slice %arg18[%dma_wait3A_113] : memref<512xi32, #tpu.memory_space<vmem>> -> memref<128xi32, #tpu.memory_space<vmem>>
    %dma_wait3A_115 = arith.constant 0 : i32
    %dma_wait3A_116 = arith.constant 0 : i32
    %dma_wait3A_117 = tpu.memref_slice %arg2[%dma_wait3A_115, %dma_wait3A_116] : memref<50000x128xi32, #tpu.memory_space<hbm>> -> memref<50000x128xi32, #tpu.memory_space<hbm>>
    tpu.wait_indirect_dma semaphore(%arg29 : memref<!tpu.dma_semaphore, #tpu.memory_space<semaphore_mem>>) src(%dma_wait3A_117 : memref<50000x128xi32, #tpu.memory_space<hbm>>) dst(%arg23 : memref<128x128xi32, #tpu.memory_space<vmem>>)
    %add3A_118 = arith.constant 256 : i32
    %add3A_119 = arith.addi %mul3A_2, %add3A_118 : i32
    %dma_start3A_120 = arith.constant 0 : i32
    %dma_start3A_121 = tpu.memref_slice %arg9[%add3A_119, %dma_start3A_120] : memref<16384x128xi32, #tpu.memory_space<hbm>> -> memref<128x128xi32, #tpu.memory_space<hbm>>
    %dma_start3A_122 = arith.constant 0 : i32
    %dma_start3A_123 = tpu.memref_slice %arg9[%add3A_119, %dma_start3A_122] : memref<16384x128xi32, #tpu.memory_space<hbm>> -> memref<128x128xi32, #tpu.memory_space<hbm>>
    tpu.enqueue_dma source(%arg22 : memref<128x128xi32, #tpu.memory_space<vmem>>) target(%dma_start3A_123 : memref<128x128xi32, #tpu.memory_space<hbm>>) target_semaphore(%arg32 : memref<!tpu.dma_semaphore, #tpu.memory_space<semaphore_mem>>)
    %add3A_124 = arith.constant 256 : i32
    %add3A_125 = arith.addi %mul3A_2, %add3A_124 : i32
    %dma_start3A_126 = arith.constant 0 : i32
    %dma_start3A_127 = tpu.memref_slice %arg10[%add3A_125, %dma_start3A_126] : memref<16384x128xi32, #tpu.memory_space<hbm>> -> memref<128x128xi32, #tpu.memory_space<hbm>>
    %dma_start3A_128 = arith.constant 0 : i32
    %dma_start3A_129 = tpu.memref_slice %arg10[%add3A_125, %dma_start3A_128] : memref<16384x128xi32, #tpu.memory_space<hbm>> -> memref<128x128xi32, #tpu.memory_space<hbm>>
    tpu.enqueue_dma source(%arg23 : memref<128x128xi32, #tpu.memory_space<vmem>>) target(%dma_start3A_129 : memref<128x128xi32, #tpu.memory_space<hbm>>) target_semaphore(%arg32 : memref<!tpu.dma_semaphore, #tpu.memory_space<semaphore_mem>>)
    %dma_wait3A_130 = arith.constant 384 : i32
    %dma_wait3A_131 = tpu.memref_slice %arg13[%dma_wait3A_130] : memref<512xi32, #tpu.memory_space<vmem>> -> memref<128xi32, #tpu.memory_space<vmem>>
    %dma_wait3A_132 = arith.constant 0 : i32
    %dma_wait3A_133 = arith.constant 0 : i32
    %dma_wait3A_134 = tpu.memref_slice %arg2[%dma_wait3A_132, %dma_wait3A_133] : memref<50000x128xi32, #tpu.memory_space<hbm>> -> memref<50000x128xi32, #tpu.memory_space<hbm>>
    tpu.wait_indirect_dma semaphore(%arg30 : memref<!tpu.dma_semaphore, #tpu.memory_space<semaphore_mem>>) src(%dma_wait3A_134 : memref<50000x128xi32, #tpu.memory_space<hbm>>) dst(%arg24 : memref<128x128xi32, #tpu.memory_space<vmem>>)
    %dma_wait3A_135 = arith.constant 384 : i32
    %dma_wait3A_136 = tpu.memref_slice %arg18[%dma_wait3A_135] : memref<512xi32, #tpu.memory_space<vmem>> -> memref<128xi32, #tpu.memory_space<vmem>>
    %dma_wait3A_137 = arith.constant 0 : i32
    %dma_wait3A_138 = arith.constant 0 : i32
    %dma_wait3A_139 = tpu.memref_slice %arg2[%dma_wait3A_137, %dma_wait3A_138] : memref<50000x128xi32, #tpu.memory_space<hbm>> -> memref<50000x128xi32, #tpu.memory_space<hbm>>
    tpu.wait_indirect_dma semaphore(%arg30 : memref<!tpu.dma_semaphore, #tpu.memory_space<semaphore_mem>>) src(%dma_wait3A_139 : memref<50000x128xi32, #tpu.memory_space<hbm>>) dst(%arg25 : memref<128x128xi32, #tpu.memory_space<vmem>>)
    %add3A_140 = arith.constant 384 : i32
    %add3A_141 = arith.addi %mul3A_2, %add3A_140 : i32
    %dma_start3A_142 = arith.constant 0 : i32
    %dma_start3A_143 = tpu.memref_slice %arg9[%add3A_141, %dma_start3A_142] : memref<16384x128xi32, #tpu.memory_space<hbm>> -> memref<128x128xi32, #tpu.memory_space<hbm>>
    %dma_start3A_144 = arith.constant 0 : i32
    %dma_start3A_145 = tpu.memref_slice %arg9[%add3A_141, %dma_start3A_144] : memref<16384x128xi32, #tpu.memory_space<hbm>> -> memref<128x128xi32, #tpu.memory_space<hbm>>
    tpu.enqueue_dma source(%arg24 : memref<128x128xi32, #tpu.memory_space<vmem>>) target(%dma_start3A_145 : memref<128x128xi32, #tpu.memory_space<hbm>>) target_semaphore(%arg33 : memref<!tpu.dma_semaphore, #tpu.memory_space<semaphore_mem>>)
    %add3A_146 = arith.constant 384 : i32
    %add3A_147 = arith.addi %mul3A_2, %add3A_146 : i32
    %dma_start3A_148 = arith.constant 0 : i32
    %dma_start3A_149 = tpu.memref_slice %arg10[%add3A_147, %dma_start3A_148] : memref<16384x128xi32, #tpu.memory_space<hbm>> -> memref<128x128xi32, #tpu.memory_space<hbm>>
    %dma_start3A_150 = arith.constant 0 : i32
    %dma_start3A_151 = tpu.memref_slice %arg10[%add3A_147, %dma_start3A_150] : memref<16384x128xi32, #tpu.memory_space<hbm>> -> memref<128x128xi32, #tpu.memory_space<hbm>>
    tpu.enqueue_dma source(%arg25 : memref<128x128xi32, #tpu.memory_space<vmem>>) target(%dma_start3A_151 : memref<128x128xi32, #tpu.memory_space<hbm>>) target_semaphore(%arg33 : memref<!tpu.dma_semaphore, #tpu.memory_space<semaphore_mem>>)
    %dma_wait3A_152 = arith.constant 0 : i32
    %dma_wait3A_153 = tpu.memref_slice %arg9[%add3A_119, %dma_wait3A_152] : memref<16384x128xi32, #tpu.memory_space<hbm>> -> memref<128x128xi32, #tpu.memory_space<hbm>>
    %dma_wait3A_154 = arith.constant 0 : i32
    %dma_wait3A_155 = tpu.memref_slice %arg9[%add3A_119, %dma_wait3A_154] : memref<16384x128xi32, #tpu.memory_space<hbm>> -> memref<128x128xi32, #tpu.memory_space<hbm>>
    tpu.wait_dma2 semaphore(%arg32 : memref<!tpu.dma_semaphore, #tpu.memory_space<semaphore_mem>>) src(%arg22 : memref<128x128xi32, #tpu.memory_space<vmem>>) dst(%dma_wait3A_155 : memref<128x128xi32, #tpu.memory_space<hbm>>)
    %dma_wait3A_156 = arith.constant 0 : i32
    %dma_wait3A_157 = tpu.memref_slice %arg10[%add3A_125, %dma_wait3A_156] : memref<16384x128xi32, #tpu.memory_space<hbm>> -> memref<128x128xi32, #tpu.memory_space<hbm>>
    %dma_wait3A_158 = arith.constant 0 : i32
    %dma_wait3A_159 = tpu.memref_slice %arg10[%add3A_125, %dma_wait3A_158] : memref<16384x128xi32, #tpu.memory_space<hbm>> -> memref<128x128xi32, #tpu.memory_space<hbm>>
    tpu.wait_dma2 semaphore(%arg32 : memref<!tpu.dma_semaphore, #tpu.memory_space<semaphore_mem>>) src(%arg23 : memref<128x128xi32, #tpu.memory_space<vmem>>) dst(%dma_wait3A_159 : memref<128x128xi32, #tpu.memory_space<hbm>>)
    %dma_wait3A_160 = arith.constant 0 : i32
    %dma_wait3A_161 = tpu.memref_slice %arg9[%add3A_141, %dma_wait3A_160] : memref<16384x128xi32, #tpu.memory_space<hbm>> -> memref<128x128xi32, #tpu.memory_space<hbm>>
    %dma_wait3A_162 = arith.constant 0 : i32
    %dma_wait3A_163 = tpu.memref_slice %arg9[%add3A_141, %dma_wait3A_162] : memref<16384x128xi32, #tpu.memory_space<hbm>> -> memref<128x128xi32, #tpu.memory_space<hbm>>
    tpu.wait_dma2 semaphore(%arg33 : memref<!tpu.dma_semaphore, #tpu.memory_space<semaphore_mem>>) src(%arg24 : memref<128x128xi32, #tpu.memory_space<vmem>>) dst(%dma_wait3A_163 : memref<128x128xi32, #tpu.memory_space<hbm>>)
    %dma_wait3A_164 = arith.constant 0 : i32
    %dma_wait3A_165 = tpu.memref_slice %arg10[%add3A_147, %dma_wait3A_164] : memref<16384x128xi32, #tpu.memory_space<hbm>> -> memref<128x128xi32, #tpu.memory_space<hbm>>
    %dma_wait3A_166 = arith.constant 0 : i32
    %dma_wait3A_167 = tpu.memref_slice %arg10[%add3A_147, %dma_wait3A_166] : memref<16384x128xi32, #tpu.memory_space<hbm>> -> memref<128x128xi32, #tpu.memory_space<hbm>>
    tpu.wait_dma2 semaphore(%arg33 : memref<!tpu.dma_semaphore, #tpu.memory_space<semaphore_mem>>) src(%arg25 : memref<128x128xi32, #tpu.memory_space<vmem>>) dst(%dma_wait3A_167 : memref<128x128xi32, #tpu.memory_space<hbm>>)
    %dma_wait3A_168 = arith.constant 0 : i32
    %dma_wait3A_169 = tpu.memref_slice %arg3[%dma_wait3A_168] : memref<100000xi32, #tpu.memory_space<hbm>> -> memref<100000xi32, #tpu.memory_space<hbm>>
    tpu.wait_indirect_dma semaphore(%arg31 : memref<!tpu.dma_semaphore, #tpu.memory_space<semaphore_mem>>) src(%dma_wait3A_169 : memref<100000xi32, #tpu.memory_space<hbm>>) dst(%arg26 : memref<512xi32, #tpu.memory_space<vmem>>)
    %scan3A_170 = arith.constant 0 : i32
    %scan3A_171 = arith.constant 0 : i32
    %scan3A_172 = arith.constant 32 : i32
    %scan3A_173 = arith.addi %scan3A_171, %scan3A_172 : i32
    %scan3A_174 = arith.constant 1 : i32
    scf.for %scan3A_176 = %scan3A_171 to %scan3A_173 step %scan3A_174  : i32 {
      %mul3A_177 = arith.constant 16 : i32
      %mul3A_178 = arith.muli %scan3A_176, %mul3A_177 : i32
      %get3A = arith.index_cast %mul3A_178 : i32 to index
      %get3A_179 = tpu.vector_load %arg20[%get3A] {strides = array<i32>} : memref<512xi32, #tpu.memory_space<vmem>>, vector<16xi32>,
      %get3A_180 = arith.index_cast %mul3A_178 : i32 to index
      %get3A_181 = tpu.vector_load %arg26[%get3A_180] {strides = array<i32>} : memref<512xi32, #tpu.memory_space<vmem>>, vector<16xi32>,
      %sub3A = arith.subi %get3A_179, %get3A_181 : vector<16xi32>
      %convert_element_type3A = arith.sitofp %sub3A : vector<16xi32> to vector<16xf32>
      %swap3A = arith.index_cast %mul3A_178 : i32 to index
      %swap3A_182 = tpu.vector_load %arg27[%swap3A] {strides = array<i32>} : memref<512xf32, #tpu.memory_space<vmem>>, vector<16xf32>,
      tpu.vector_store %arg27[%swap3A], %convert_element_type3A {strides = array<i32>} : memref<512xf32, #tpu.memory_space<vmem>>, vector<16xf32>,
    }
    %scan3A_175 = arith.constant 32 : i32
    "tpu.region"() ({
      %run_scoped3A = tpu.sem_alloc : memref<!tpu.dma_semaphore, #tpu.memory_space<semaphore_mem>>
      %dma_start3A_176 = tpu.memref_slice %arg11[%mul3A_2] : memref<16384xf32, #tpu.memory_space<hbm>> -> memref<512xf32, #tpu.memory_space<hbm>>
      %dma_start3A_177 = tpu.memref_slice %arg11[%mul3A_2] : memref<16384xf32, #tpu.memory_space<hbm>> -> memref<512xf32, #tpu.memory_space<hbm>>
      tpu.enqueue_dma source(%arg27 : memref<512xf32, #tpu.memory_space<vmem>>) target(%dma_start3A_177 : memref<512xf32, #tpu.memory_space<hbm>>) target_semaphore(%run_scoped3A : memref<!tpu.dma_semaphore, #tpu.memory_space<semaphore_mem>>)
      %dma_wait3A_178 = tpu.memref_slice %arg11[%mul3A_2] : memref<16384xf32, #tpu.memory_space<hbm>> -> memref<512xf32, #tpu.memory_space<hbm>>
      %dma_wait3A_179 = tpu.memref_slice %arg11[%mul3A_2] : memref<16384xf32, #tpu.memory_space<hbm>> -> memref<512xf32, #tpu.memory_space<hbm>>
      tpu.wait_dma2 semaphore(%run_scoped3A : memref<!tpu.dma_semaphore, #tpu.memory_space<semaphore_mem>>) src(%arg27 : memref<512xf32, #tpu.memory_space<vmem>>) dst(%dma_wait3A_179 : memref<512xf32, #tpu.memory_space<hbm>>)
      tpu.yield
    }) : () -> ()
    "tpu.region"() ({
      %run_scoped3A = tpu.sem_alloc : memref<!tpu.dma_semaphore, #tpu.memory_space<semaphore_mem>>
      %dma_start3A_176 = tpu.memref_slice %arg12[%mul3A_2] : memref<16384xf32, #tpu.memory_space<hbm>> -> memref<512xf32, #tpu.memory_space<hbm>>
      %dma_start3A_177 = tpu.memref_slice %arg12[%mul3A_2] : memref<16384xf32, #tpu.memory_space<hbm>> -> memref<512xf32, #tpu.memory_space<hbm>>
      tpu.enqueue_dma source(%arg28 : memref<512xf32, #tpu.memory_space<vmem>>) target(%dma_start3A_177 : memref<512xf32, #tpu.memory_space<hbm>>) target_semaphore(%run_scoped3A : memref<!tpu.dma_semaphore, #tpu.memory_space<semaphore_mem>>)
      %dma_wait3A_178 = tpu.memref_slice %arg12[%mul3A_2] : memref<16384xf32, #tpu.memory_space<hbm>> -> memref<512xf32, #tpu.memory_space<hbm>>
      %dma_wait3A_179 = tpu.memref_slice %arg12[%mul3A_2] : memref<16384xf32, #tpu.memory_space<hbm>> -> memref<512xf32, #tpu.memory_space<hbm>>
      tpu.wait_dma2 semaphore(%run_scoped3A : memref<!tpu.dma_semaphore, #tpu.memory_space<semaphore_mem>>) src(%arg28 : memref<512xf32, #tpu.memory_space<vmem>>) dst(%dma_wait3A_179 : memref<512xf32, #tpu.memory_space<hbm>>)
      tpu.yield
    }) : () -> ()
    return
  }
}

#map = affine_map<(d0, d1) -> (0)>
module attributes {stable_mosaic.version = 14 : i64} {
  func.func @_sc_scatter_max(%arg0: i32, %arg1: i32, %arg2: memref<100352xi32, #tpu.memory_space<hbm>>, %arg3: memref<16384xi32, #tpu.memory_space<hbm>>, %arg4: memref<16384xi32, #tpu.memory_space<hbm>>, %arg5: memref<16384xi32, #tpu.memory_space<hbm>>, %arg6: memref<100352xi32, #tpu.memory_space<hbm>>, %arg7: memref<3136xi32, #tpu.memory_space<vmem>>, %arg8: memref<16384xi32, #tpu.memory_space<vmem>>, %arg9: memref<16384xi32, #tpu.memory_space<vmem>>, %arg10: memref<16384xi32, #tpu.memory_space<vmem>>) attributes {dimension_semantics = [#tpu.dimension_semantics<core_parallel>, #tpu.dimension_semantics<subcore_parallel>], iteration_bounds = array<i64: 2, 16>, scalar_prefetch = 0 : i64, scratch_operands = 4 : i64, tpu.core_type = #tpu.core_type<sc_vector_subcore>, window_params = [{transform_indices = #map}, {transform_indices = #map}, {transform_indices = #map}, {transform_indices = #map}, {transform_indices = #map}]} {
    %mul3A = arith.constant 2 : i32
    %mul3A_0 = arith.muli %arg1, %mul3A : i32
    %add3A = arith.addi %mul3A_0, %arg0 : i32
    %mul3A_1 = arith.constant 3136 : i32
    %mul3A_2 = arith.muli %add3A, %mul3A_1 : i32
    "tpu.region"() ({
      %run_scoped3A = tpu.sem_alloc : memref<!tpu.dma_semaphore, #tpu.memory_space<semaphore_mem>>
      %dma_start3A = tpu.memref_slice %arg2[%mul3A_2] : memref<100352xi32, #tpu.memory_space<hbm>> -> memref<3136xi32, #tpu.memory_space<hbm>>
      %dma_start3A_8 = tpu.memref_slice %arg2[%mul3A_2] : memref<100352xi32, #tpu.memory_space<hbm>> -> memref<3136xi32, #tpu.memory_space<hbm>>
      tpu.enqueue_dma source(%dma_start3A_8 : memref<3136xi32, #tpu.memory_space<hbm>>) target(%arg7 : memref<3136xi32, #tpu.memory_space<vmem>>) target_semaphore(%run_scoped3A : memref<!tpu.dma_semaphore, #tpu.memory_space<semaphore_mem>>)
      %dma_wait3A = tpu.memref_slice %arg2[%mul3A_2] : memref<100352xi32, #tpu.memory_space<hbm>> -> memref<3136xi32, #tpu.memory_space<hbm>>
      %dma_wait3A_9 = tpu.memref_slice %arg2[%mul3A_2] : memref<100352xi32, #tpu.memory_space<hbm>> -> memref<3136xi32, #tpu.memory_space<hbm>>
      tpu.wait_dma2 semaphore(%run_scoped3A : memref<!tpu.dma_semaphore, #tpu.memory_space<semaphore_mem>>) src(%dma_wait3A_9 : memref<3136xi32, #tpu.memory_space<hbm>>) dst(%arg7 : memref<3136xi32, #tpu.memory_space<vmem>>)
      tpu.yield
    }) : () -> ()
    "tpu.region"() ({
      %run_scoped3A = tpu.sem_alloc : memref<!tpu.dma_semaphore, #tpu.memory_space<semaphore_mem>>
      tpu.enqueue_dma source(%arg3 : memref<16384xi32, #tpu.memory_space<hbm>>) target(%arg8 : memref<16384xi32, #tpu.memory_space<vmem>>) target_semaphore(%run_scoped3A : memref<!tpu.dma_semaphore, #tpu.memory_space<semaphore_mem>>)
      tpu.wait_dma2 semaphore(%run_scoped3A : memref<!tpu.dma_semaphore, #tpu.memory_space<semaphore_mem>>) src(%arg3 : memref<16384xi32, #tpu.memory_space<hbm>>) dst(%arg8 : memref<16384xi32, #tpu.memory_space<vmem>>)
      tpu.yield
    }) : () -> ()
    "tpu.region"() ({
      %run_scoped3A = tpu.sem_alloc : memref<!tpu.dma_semaphore, #tpu.memory_space<semaphore_mem>>
      tpu.enqueue_dma source(%arg4 : memref<16384xi32, #tpu.memory_space<hbm>>) target(%arg9 : memref<16384xi32, #tpu.memory_space<vmem>>) target_semaphore(%run_scoped3A : memref<!tpu.dma_semaphore, #tpu.memory_space<semaphore_mem>>)
      tpu.wait_dma2 semaphore(%run_scoped3A : memref<!tpu.dma_semaphore, #tpu.memory_space<semaphore_mem>>) src(%arg4 : memref<16384xi32, #tpu.memory_space<hbm>>) dst(%arg9 : memref<16384xi32, #tpu.memory_space<vmem>>)
      tpu.yield
    }) : () -> ()
    "tpu.region"() ({
      %run_scoped3A = tpu.sem_alloc : memref<!tpu.dma_semaphore, #tpu.memory_space<semaphore_mem>>
      tpu.enqueue_dma source(%arg5 : memref<16384xi32, #tpu.memory_space<hbm>>) target(%arg10 : memref<16384xi32, #tpu.memory_space<vmem>>) target_semaphore(%run_scoped3A : memref<!tpu.dma_semaphore, #tpu.memory_space<semaphore_mem>>)
      tpu.wait_dma2 semaphore(%run_scoped3A : memref<!tpu.dma_semaphore, #tpu.memory_space<semaphore_mem>>) src(%arg5 : memref<16384xi32, #tpu.memory_space<hbm>>) dst(%arg10 : memref<16384xi32, #tpu.memory_space<vmem>>)
      tpu.yield
    }) : () -> ()
    %scan3A = arith.constant 0 : i32
    %scan3A_3 = arith.constant 0 : i32
    %scan3A_4 = arith.constant 256 : i32
    %scan3A_5 = arith.addi %scan3A_3, %scan3A_4 : i32
    %scan3A_6 = arith.constant 1 : i32
    scf.for %scan3A_8 = %scan3A_3 to %scan3A_5 step %scan3A_6  : i32 {
      %mul3A_9 = arith.constant 4 : i32
      %mul3A_10 = arith.muli %scan3A_8, %mul3A_9 : i32
      %mul3A_11 = arith.constant 16 : i32
      %mul3A_12 = arith.muli %mul3A_10, %mul3A_11 : i32
      %get3A = arith.index_cast %mul3A_12 : i32 to index
      %get3A_13 = tpu.vector_load %arg8[%get3A] {strides = array<i32>} : memref<16384xi32, #tpu.memory_space<vmem>>, vector<16xi32>,
      %sub3A = vector.broadcast %mul3A_2 : i32 to vector<16xi32>
      %sub3A_14 = arith.subi %get3A_13, %sub3A : vector<16xi32>
      %get3A_15 = arith.index_cast %mul3A_12 : i32 to index
      %get3A_16 = tpu.vector_load %arg9[%get3A_15] {strides = array<i32>} : memref<16384xi32, #tpu.memory_space<vmem>>, vector<16xi32>,
      %get3A_17 = arith.index_cast %mul3A_12 : i32 to index
      %get3A_18 = tpu.vector_load %arg10[%get3A_17] {strides = array<i32>} : memref<16384xi32, #tpu.memory_space<vmem>>, vector<16xi32>,
      %max3A = arith.maxsi %get3A_16, %get3A_18 : vector<16xi32>
      %ge3A = arith.constant 0 : i32
      %ge3A_19 = vector.broadcast %ge3A : i32 to vector<16xi32>
      %ge3A_20 = arith.cmpi sge, %sub3A_14, %ge3A_19 : vector<16xi32>
      %lt3A = arith.constant 3136 : i32
      %lt3A_21 = vector.broadcast %lt3A : i32 to vector<16xi32>
      %lt3A_22 = arith.cmpi slt, %sub3A_14, %lt3A_21 : vector<16xi32>
      %and3A = arith.andi %ge3A_20, %lt3A_22 : vector<16xi1>
      %gather3A = tpu.vector_load_idx %arg7[%sub3A_14] masked %and3A : memref<3136xi32, #tpu.memory_space<vmem>>[vector<16xi32>], vector<16xi32>, vector<16xi1>
      %lt3A_23 = arith.cmpi slt, %gather3A, %max3A : vector<16xi32>
      %and3A_24 = arith.andi %and3A, %lt3A_23 : vector<16xi1>
      %while3A = scf.while (%while3A_103 = %and3A_24) : (vector<16xi1>) -> vector<16xi1> {
        %reduce_or3A = arith.constant 1.000000e+00 : f32
        %reduce_or3A_104 = arith.constant 0.000000e+00 : f32
        %reduce_or3A_105 = vector.broadcast %reduce_or3A : f32 to vector<16xf32>
        %reduce_or3A_106 = vector.broadcast %reduce_or3A_104 : f32 to vector<16xf32>
        %reduce_or3A_107 = arith.select %while3A_103, %reduce_or3A_105, %reduce_or3A_106 : vector<16xi1>, vector<16xf32>
        %reduce_or3A_108 = arith.constant true
        %reduce_or3A_109 = vector.broadcast %reduce_or3A_108 : i1 to vector<16xi1>
        %reduce_or3A_110 = tpu.scan <max>, %reduce_or3A_107 masked %reduce_or3A_109 : vector<16xf32>, vector<16xi1> -> vector<16xf32>
        %reduce_or3A_111 = vector.extract %reduce_or3A_110[15] : f32 from vector<16xf32>
        %reduce_or3A_112 = arith.constant 0.000000e+00 : f32
        %reduce_or3A_113 = arith.cmpf ogt, %reduce_or3A_111, %reduce_or3A_112 : f32
        scf.condition(%reduce_or3A_113) %while3A_103 : vector<16xi1>
      } do {
      ^bb0(%while3A_103: vector<16xi1>):
        tpu.vector_store_idx %arg7[%sub3A_14], %max3A masked %while3A_103 : memref<3136xi32, #tpu.memory_space<vmem>>[vector<16xi32>], vector<16xi32>, vector<16xi1>
        %gather3A_104 = tpu.vector_load_idx %arg7[%sub3A_14] masked %while3A_103 : memref<3136xi32, #tpu.memory_space<vmem>>[vector<16xi32>], vector<16xi32>, vector<16xi1>
        %lt3A_105 = arith.cmpi slt, %gather3A_104, %max3A : vector<16xi32>
        %and3A_106 = arith.andi %while3A_103, %lt3A_105 : vector<16xi1>
        scf.yield %and3A_106 : vector<16xi1>
      }
      %mul3A_25 = arith.constant 4 : i32
      %mul3A_26 = arith.muli %scan3A_8, %mul3A_25 : i32
      %mul3A_27 = arith.constant 16 : i32
      %mul3A_28 = arith.muli %mul3A_26, %mul3A_27 : i32
      %add3A_29 = arith.constant 16 : i32
      %add3A_30 = arith.addi %mul3A_28, %add3A_29 : i32
      %get3A_31 = arith.index_cast %add3A_30 : i32 to index
      %get3A_32 = tpu.vector_load %arg8[%get3A_31] {strides = array<i32>} : memref<16384xi32, #tpu.memory_space<vmem>>, vector<16xi32>,
      %sub3A_33 = vector.broadcast %mul3A_2 : i32 to vector<16xi32>
      %sub3A_34 = arith.subi %get3A_32, %sub3A_33 : vector<16xi32>
      %get3A_35 = arith.index_cast %add3A_30 : i32 to index
      %get3A_36 = tpu.vector_load %arg9[%get3A_35] {strides = array<i32>} : memref<16384xi32, #tpu.memory_space<vmem>>, vector<16xi32>,
      %get3A_37 = arith.index_cast %add3A_30 : i32 to index
      %get3A_38 = tpu.vector_load %arg10[%get3A_37] {strides = array<i32>} : memref<16384xi32, #tpu.memory_space<vmem>>, vector<16xi32>,
      %max3A_39 = arith.maxsi %get3A_36, %get3A_38 : vector<16xi32>
      %ge3A_40 = arith.constant 0 : i32
      %ge3A_41 = vector.broadcast %ge3A_40 : i32 to vector<16xi32>
      %ge3A_42 = arith.cmpi sge, %sub3A_34, %ge3A_41 : vector<16xi32>
      %lt3A_43 = arith.constant 3136 : i32
      %lt3A_44 = vector.broadcast %lt3A_43 : i32 to vector<16xi32>
      %lt3A_45 = arith.cmpi slt, %sub3A_34, %lt3A_44 : vector<16xi32>
      %and3A_46 = arith.andi %ge3A_42, %lt3A_45 : vector<16xi1>
      %gather3A_47 = tpu.vector_load_idx %arg7[%sub3A_34] masked %and3A_46 : memref<3136xi32, #tpu.memory_space<vmem>>[vector<16xi32>], vector<16xi32>, vector<16xi1>
      %lt3A_48 = arith.cmpi slt, %gather3A_47, %max3A_39 : vector<16xi32>
      %and3A_49 = arith.andi %and3A_46, %lt3A_48 : vector<16xi1>
      %while3A_50 = scf.while (%while3A_103 = %and3A_49) : (vector<16xi1>) -> vector<16xi1> {
        %reduce_or3A = arith.constant 1.000000e+00 : f32
        %reduce_or3A_104 = arith.constant 0.000000e+00 : f32
        %reduce_or3A_105 = vector.broadcast %reduce_or3A : f32 to vector<16xf32>
        %reduce_or3A_106 = vector.broadcast %reduce_or3A_104 : f32 to vector<16xf32>
        %reduce_or3A_107 = arith.select %while3A_103, %reduce_or3A_105, %reduce_or3A_106 : vector<16xi1>, vector<16xf32>
        %reduce_or3A_108 = arith.constant true
        %reduce_or3A_109 = vector.broadcast %reduce_or3A_108 : i1 to vector<16xi1>
        %reduce_or3A_110 = tpu.scan <max>, %reduce_or3A_107 masked %reduce_or3A_109 : vector<16xf32>, vector<16xi1> -> vector<16xf32>
        %reduce_or3A_111 = vector.extract %reduce_or3A_110[15] : f32 from vector<16xf32>
        %reduce_or3A_112 = arith.constant 0.000000e+00 : f32
        %reduce_or3A_113 = arith.cmpf ogt, %reduce_or3A_111, %reduce_or3A_112 : f32
        scf.condition(%reduce_or3A_113) %while3A_103 : vector<16xi1>
      } do {
      ^bb0(%while3A_103: vector<16xi1>):
        tpu.vector_store_idx %arg7[%sub3A_34], %max3A_39 masked %while3A_103 : memref<3136xi32, #tpu.memory_space<vmem>>[vector<16xi32>], vector<16xi32>, vector<16xi1>
        %gather3A_104 = tpu.vector_load_idx %arg7[%sub3A_34] masked %while3A_103 : memref<3136xi32, #tpu.memory_space<vmem>>[vector<16xi32>], vector<16xi32>, vector<16xi1>
        %lt3A_105 = arith.cmpi slt, %gather3A_104, %max3A_39 : vector<16xi32>
        %and3A_106 = arith.andi %while3A_103, %lt3A_105 : vector<16xi1>
        scf.yield %and3A_106 : vector<16xi1>
      }
      %mul3A_51 = arith.constant 4 : i32
      %mul3A_52 = arith.muli %scan3A_8, %mul3A_51 : i32
      %mul3A_53 = arith.constant 16 : i32
      %mul3A_54 = arith.muli %mul3A_52, %mul3A_53 : i32
      %add3A_55 = arith.constant 32 : i32
      %add3A_56 = arith.addi %mul3A_54, %add3A_55 : i32
      %get3A_57 = arith.index_cast %add3A_56 : i32 to index
      %get3A_58 = tpu.vector_load %arg8[%get3A_57] {strides = array<i32>} : memref<16384xi32, #tpu.memory_space<vmem>>, vector<16xi32>,
      %sub3A_59 = vector.broadcast %mul3A_2 : i32 to vector<16xi32>
      %sub3A_60 = arith.subi %get3A_58, %sub3A_59 : vector<16xi32>
      %get3A_61 = arith.index_cast %add3A_56 : i32 to index
      %get3A_62 = tpu.vector_load %arg9[%get3A_61] {strides = array<i32>} : memref<16384xi32, #tpu.memory_space<vmem>>, vector<16xi32>,
      %get3A_63 = arith.index_cast %add3A_56 : i32 to index
      %get3A_64 = tpu.vector_load %arg10[%get3A_63] {strides = array<i32>} : memref<16384xi32, #tpu.memory_space<vmem>>, vector<16xi32>,
      %max3A_65 = arith.maxsi %get3A_62, %get3A_64 : vector<16xi32>
      %ge3A_66 = arith.constant 0 : i32
      %ge3A_67 = vector.broadcast %ge3A_66 : i32 to vector<16xi32>
      %ge3A_68 = arith.cmpi sge, %sub3A_60, %ge3A_67 : vector<16xi32>
      %lt3A_69 = arith.constant 3136 : i32
      %lt3A_70 = vector.broadcast %lt3A_69 : i32 to vector<16xi32>
      %lt3A_71 = arith.cmpi slt, %sub3A_60, %lt3A_70 : vector<16xi32>
      %and3A_72 = arith.andi %ge3A_68, %lt3A_71 : vector<16xi1>
      %gather3A_73 = tpu.vector_load_idx %arg7[%sub3A_60] masked %and3A_72 : memref<3136xi32, #tpu.memory_space<vmem>>[vector<16xi32>], vector<16xi32>, vector<16xi1>
      %lt3A_74 = arith.cmpi slt, %gather3A_73, %max3A_65 : vector<16xi32>
      %and3A_75 = arith.andi %and3A_72, %lt3A_74 : vector<16xi1>
      %while3A_76 = scf.while (%while3A_103 = %and3A_75) : (vector<16xi1>) -> vector<16xi1> {
        %reduce_or3A = arith.constant 1.000000e+00 : f32
        %reduce_or3A_104 = arith.constant 0.000000e+00 : f32
        %reduce_or3A_105 = vector.broadcast %reduce_or3A : f32 to vector<16xf32>
        %reduce_or3A_106 = vector.broadcast %reduce_or3A_104 : f32 to vector<16xf32>
        %reduce_or3A_107 = arith.select %while3A_103, %reduce_or3A_105, %reduce_or3A_106 : vector<16xi1>, vector<16xf32>
        %reduce_or3A_108 = arith.constant true
        %reduce_or3A_109 = vector.broadcast %reduce_or3A_108 : i1 to vector<16xi1>
        %reduce_or3A_110 = tpu.scan <max>, %reduce_or3A_107 masked %reduce_or3A_109 : vector<16xf32>, vector<16xi1> -> vector<16xf32>
        %reduce_or3A_111 = vector.extract %reduce_or3A_110[15] : f32 from vector<16xf32>
        %reduce_or3A_112 = arith.constant 0.000000e+00 : f32
        %reduce_or3A_113 = arith.cmpf ogt, %reduce_or3A_111, %reduce_or3A_112 : f32
        scf.condition(%reduce_or3A_113) %while3A_103 : vector<16xi1>
      } do {
      ^bb0(%while3A_103: vector<16xi1>):
        tpu.vector_store_idx %arg7[%sub3A_60], %max3A_65 masked %while3A_103 : memref<3136xi32, #tpu.memory_space<vmem>>[vector<16xi32>], vector<16xi32>, vector<16xi1>
        %gather3A_104 = tpu.vector_load_idx %arg7[%sub3A_60] masked %while3A_103 : memref<3136xi32, #tpu.memory_space<vmem>>[vector<16xi32>], vector<16xi32>, vector<16xi1>
        %lt3A_105 = arith.cmpi slt, %gather3A_104, %max3A_65 : vector<16xi32>
        %and3A_106 = arith.andi %while3A_103, %lt3A_105 : vector<16xi1>
        scf.yield %and3A_106 : vector<16xi1>
      }
      %mul3A_77 = arith.constant 4 : i32
      %mul3A_78 = arith.muli %scan3A_8, %mul3A_77 : i32
      %mul3A_79 = arith.constant 16 : i32
      %mul3A_80 = arith.muli %mul3A_78, %mul3A_79 : i32
      %add3A_81 = arith.constant 48 : i32
      %add3A_82 = arith.addi %mul3A_80, %add3A_81 : i32
      %get3A_83 = arith.index_cast %add3A_82 : i32 to index
      %get3A_84 = tpu.vector_load %arg8[%get3A_83] {strides = array<i32>} : memref<16384xi32, #tpu.memory_space<vmem>>, vector<16xi32>,
      %sub3A_85 = vector.broadcast %mul3A_2 : i32 to vector<16xi32>
      %sub3A_86 = arith.subi %get3A_84, %sub3A_85 : vector<16xi32>
      %get3A_87 = arith.index_cast %add3A_82 : i32 to index
      %get3A_88 = tpu.vector_load %arg9[%get3A_87] {strides = array<i32>} : memref<16384xi32, #tpu.memory_space<vmem>>, vector<16xi32>,
      %get3A_89 = arith.index_cast %add3A_82 : i32 to index
      %get3A_90 = tpu.vector_load %arg10[%get3A_89] {strides = array<i32>} : memref<16384xi32, #tpu.memory_space<vmem>>, vector<16xi32>,
      %max3A_91 = arith.maxsi %get3A_88, %get3A_90 : vector<16xi32>
      %ge3A_92 = arith.constant 0 : i32
      %ge3A_93 = vector.broadcast %ge3A_92 : i32 to vector<16xi32>
      %ge3A_94 = arith.cmpi sge, %sub3A_86, %ge3A_93 : vector<16xi32>
      %lt3A_95 = arith.constant 3136 : i32
      %lt3A_96 = vector.broadcast %lt3A_95 : i32 to vector<16xi32>
      %lt3A_97 = arith.cmpi slt, %sub3A_86, %lt3A_96 : vector<16xi32>
      %and3A_98 = arith.andi %ge3A_94, %lt3A_97 : vector<16xi1>
      %gather3A_99 = tpu.vector_load_idx %arg7[%sub3A_86] masked %and3A_98 : memref<3136xi32, #tpu.memory_space<vmem>>[vector<16xi32>], vector<16xi32>, vector<16xi1>
      %lt3A_100 = arith.cmpi slt, %gather3A_99, %max3A_91 : vector<16xi32>
      %and3A_101 = arith.andi %and3A_98, %lt3A_100 : vector<16xi1>
      %while3A_102 = scf.while (%while3A_103 = %and3A_101) : (vector<16xi1>) -> vector<16xi1> {
        %reduce_or3A = arith.constant 1.000000e+00 : f32
        %reduce_or3A_104 = arith.constant 0.000000e+00 : f32
        %reduce_or3A_105 = vector.broadcast %reduce_or3A : f32 to vector<16xf32>
        %reduce_or3A_106 = vector.broadcast %reduce_or3A_104 : f32 to vector<16xf32>
        %reduce_or3A_107 = arith.select %while3A_103, %reduce_or3A_105, %reduce_or3A_106 : vector<16xi1>, vector<16xf32>
        %reduce_or3A_108 = arith.constant true
        %reduce_or3A_109 = vector.broadcast %reduce_or3A_108 : i1 to vector<16xi1>
        %reduce_or3A_110 = tpu.scan <max>, %reduce_or3A_107 masked %reduce_or3A_109 : vector<16xf32>, vector<16xi1> -> vector<16xf32>
        %reduce_or3A_111 = vector.extract %reduce_or3A_110[15] : f32 from vector<16xf32>
        %reduce_or3A_112 = arith.constant 0.000000e+00 : f32
        %reduce_or3A_113 = arith.cmpf ogt, %reduce_or3A_111, %reduce_or3A_112 : f32
        scf.condition(%reduce_or3A_113) %while3A_103 : vector<16xi1>
      } do {
      ^bb0(%while3A_103: vector<16xi1>):
        tpu.vector_store_idx %arg7[%sub3A_86], %max3A_91 masked %while3A_103 : memref<3136xi32, #tpu.memory_space<vmem>>[vector<16xi32>], vector<16xi32>, vector<16xi1>
        %gather3A_104 = tpu.vector_load_idx %arg7[%sub3A_86] masked %while3A_103 : memref<3136xi32, #tpu.memory_space<vmem>>[vector<16xi32>], vector<16xi32>, vector<16xi1>
        %lt3A_105 = arith.cmpi slt, %gather3A_104, %max3A_91 : vector<16xi32>
        %and3A_106 = arith.andi %while3A_103, %lt3A_105 : vector<16xi1>
        scf.yield %and3A_106 : vector<16xi1>
      }
    }
    %scan3A_7 = arith.constant 256 : i32
    "tpu.region"() ({
      %run_scoped3A = tpu.sem_alloc : memref<!tpu.dma_semaphore, #tpu.memory_space<semaphore_mem>>
      %dma_start3A = tpu.memref_slice %arg6[%mul3A_2] : memref<100352xi32, #tpu.memory_space<hbm>> -> memref<3136xi32, #tpu.memory_space<hbm>>
      %dma_start3A_8 = tpu.memref_slice %arg6[%mul3A_2] : memref<100352xi32, #tpu.memory_space<hbm>> -> memref<3136xi32, #tpu.memory_space<hbm>>
      tpu.enqueue_dma source(%arg7 : memref<3136xi32, #tpu.memory_space<vmem>>) target(%dma_start3A_8 : memref<3136xi32, #tpu.memory_space<hbm>>) target_semaphore(%run_scoped3A : memref<!tpu.dma_semaphore, #tpu.memory_space<semaphore_mem>>)
      %dma_wait3A = tpu.memref_slice %arg6[%mul3A_2] : memref<100352xi32, #tpu.memory_space<hbm>> -> memref<3136xi32, #tpu.memory_space<hbm>>
      %dma_wait3A_9 = tpu.memref_slice %arg6[%mul3A_2] : memref<100352xi32, #tpu.memory_space<hbm>> -> memref<3136xi32, #tpu.memory_space<hbm>>
      tpu.wait_dma2 semaphore(%run_scoped3A : memref<!tpu.dma_semaphore, #tpu.memory_space<semaphore_mem>>) src(%arg7 : memref<3136xi32, #tpu.memory_space<vmem>>) dst(%dma_wait3A_9 : memref<3136xi32, #tpu.memory_space<hbm>>)
      tpu.yield
    }) : () -> ()
    return
  }
}

module attributes {stable_mosaic.version = 14 : i64} {
  func.func @_pad_body(%arg0: i32, %arg1: memref<10000x100xf32, #tpu.memory_space<vmem>>, %arg2: memref<10000x100xf32, #tpu.memory_space<vmem>>, %arg3: memref<10000x128xi32, #tpu.memory_space<vmem>>) attributes {dimension_semantics = [#tpu.dimension_semantics<arbitrary>], iteration_bounds = array<i64: 5>, scalar_prefetch = 0 : i64, scratch_operands = 0 : i64, tpu.core_type = #tpu.core_type<tc>, window_params = [{transform_indices = @transform_0, window_bounds = array<i64: 10000, 100>}, {transform_indices = @transform_1, window_bounds = array<i64: 10000, 100>}, {transform_indices = @transform_2, window_bounds = array<i64: 10000, 128>}]} {
    %get3A = arith.constant 0 : index
    %get3A_0 = arith.constant 0 : index
    %get3A_1 = vector.load %arg1[%get3A, %get3A_0] : memref<10000x100xf32, #tpu.memory_space<vmem>>, vector<10000x100xf32>
    %bitcast_convert_type3A = tpu.bitcast %get3A_1 : vector<10000x100xf32> -> vector<10000x100xi32>
    %add3A = arith.constant 32768 : i32
    %add3A_2 = vector.broadcast %add3A : i32 to vector<10000x100xi32>
    %add3A_3 = arith.addi %bitcast_convert_type3A, %add3A_2 : vector<10000x100xi32>
    %shift_right_logical3A = arith.constant 16 : i32
    %shift_right_logical3A_4 = vector.broadcast %shift_right_logical3A : i32 to vector<10000x100xi32>
    %shift_right_logical3A_5 = arith.shrui %add3A_3, %shift_right_logical3A_4 : vector<10000x100xi32>
    %get3A_6 = arith.constant 0 : index
    %get3A_7 = arith.constant 0 : index
    %get3A_8 = vector.load %arg2[%get3A_6, %get3A_7] : memref<10000x100xf32, #tpu.memory_space<vmem>>, vector<10000x100xf32>
    %bitcast_convert_type3A_9 = tpu.bitcast %get3A_8 : vector<10000x100xf32> -> vector<10000x100xi32>
    %add3A_10 = arith.constant 32768 : i32
    %add3A_11 = vector.broadcast %add3A_10 : i32 to vector<10000x100xi32>
    %add3A_12 = arith.addi %bitcast_convert_type3A_9, %add3A_11 : vector<10000x100xi32>
    %and3A = arith.constant -65536 : i32
    %and3A_13 = vector.broadcast %and3A : i32 to vector<10000x100xi32>
    %and3A_14 = arith.andi %add3A_12, %and3A_13 : vector<10000x100xi32>
    %or3A = arith.ori %and3A_14, %shift_right_logical3A_5 : vector<10000x100xi32>
    %swap3A = arith.constant 0 : index
    %swap3A_15 = arith.constant 0 : index
    %swap3A_16 = vector.load %arg3[%swap3A, %swap3A_15] : memref<10000x128xi32, #tpu.memory_space<vmem>>, vector<10000x100xi32>
    tpu.vector_store %arg3[%swap3A, %swap3A_15], %or3A {strides = array<i32>} : memref<10000x128xi32, #tpu.memory_space<vmem>>, vector<10000x100xi32>,
    return
  }
  func.func @transform_0(%arg0: i32) -> (i32, i32) {
    %c0_i32 = arith.constant 0 : i32
    %c0_i32_0 = arith.constant 0 : i32
    return %arg0, %c0_i32 : i32, i32
  }
  func.func @transform_1(%arg0: i32) -> (i32, i32) {
    %add3A = arith.constant 5 : i32
    %add3A_0 = arith.addi %arg0, %add3A : i32
    %c0_i32 = arith.constant 0 : i32
    %c0_i32_1 = arith.constant 0 : i32
    return %add3A_0, %c0_i32 : i32, i32
  }
  func.func @transform_2(%arg0: i32) -> (i32, i32) {
    %c0_i32 = arith.constant 0 : i32
    %c0_i32_0 = arith.constant 0 : i32
    return %arg0, %c0_i32 : i32, i32
  }
}

module attributes {stable_mosaic.version = 14 : i64} {
  func.func @_gru_body(%arg0: i32, %arg1: memref<1024x1xf32, #tpu.memory_space<vmem>>, %arg2: memref<1024x1xf32, #tpu.memory_space<vmem>>, %arg3: memref<1024x128xi32, #tpu.memory_space<vmem>>, %arg4: memref<1024x128xi32, #tpu.memory_space<vmem>>, %arg5: memref<1024x172xf32, #tpu.memory_space<vmem>>, %arg6: memref<1024x172xf32, #tpu.memory_space<vmem>>, %arg7: memref<1x100xf32, #tpu.memory_space<vmem>>, %arg8: memref<1x100xf32, #tpu.memory_space<vmem>>, %arg9: memref<100x384xf32, #tpu.memory_space<vmem>>, %arg10: memref<100x384xf32, #tpu.memory_space<vmem>>, %arg11: memref<172x384xf32, #tpu.memory_space<vmem>>, %arg12: memref<100x384xf32, #tpu.memory_space<vmem>>, %arg13: memref<100x384xf32, #tpu.memory_space<vmem>>, %arg14: memref<1x384xf32, #tpu.memory_space<vmem>>, %arg15: memref<1x384xf32, #tpu.memory_space<vmem>>, %arg16: memref<1024x100xf32, #tpu.memory_space<vmem>>) attributes {dimension_semantics = [#tpu.dimension_semantics<arbitrary>], iteration_bounds = array<i64: 16>, scalar_prefetch = 0 : i64, scratch_operands = 0 : i64, tpu.core_type = #tpu.core_type<tc>, window_params = [{transform_indices = @transform_0, window_bounds = array<i64: 1024, 1>}, {transform_indices = @transform_1, window_bounds = array<i64: 1024, 1>}, {transform_indices = @transform_2, window_bounds = array<i64: 1024, 128>}, {transform_indices = @transform_3, window_bounds = array<i64: 1024, 128>}, {transform_indices = @transform_4, window_bounds = array<i64: 1024, 172>}, {transform_indices = @transform_5, window_bounds = array<i64: 1024, 172>}, {pipeline_mode = #tpu.pipeline_mode<synchronous>, transform_indices = @transform_6, window_bounds = array<i64: 1, 100>}, {pipeline_mode = #tpu.pipeline_mode<synchronous>, transform_indices = @transform_7, window_bounds = array<i64: 1, 100>}, {pipeline_mode = #tpu.pipeline_mode<synchronous>, transform_indices = @transform_8, window_bounds = array<i64: 100, 384>}, {pipeline_mode = #tpu.pipeline_mode<synchronous>, transform_indices = @transform_9, window_bounds = array<i64: 100, 384>}, {pipeline_mode = #tpu.pipeline_mode<synchronous>, transform_indices = @transform_10, window_bounds = array<i64: 172, 384>}, {pipeline_mode = #tpu.pipeline_mode<synchronous>, transform_indices = @transform_11, window_bounds = array<i64: 100, 384>}, {pipeline_mode = #tpu.pipeline_mode<synchronous>, transform_indices = @transform_12, window_bounds = array<i64: 100, 384>}, {pipeline_mode = #tpu.pipeline_mode<synchronous>, transform_indices = @transform_13, window_bounds = array<i64: 1, 384>}, {pipeline_mode = #tpu.pipeline_mode<synchronous>, transform_indices = @transform_14, window_bounds = array<i64: 1, 384>}, {transform_indices = @transform_15, window_bounds = array<i64: 1024, 100>}]} {
    %get3A = arith.constant 0 : index
    %get3A_0 = arith.constant 0 : index
    %get3A_1 = vector.load %arg1[%get3A, %get3A_0] : memref<1024x1xf32, #tpu.memory_space<vmem>>, vector<1024x1xf32>
    %convert_element_type3A = arith.fptosi %get3A_1 : vector<1024x1xf32> to vector<1024x1xi32>
    %and3A = arith.constant 1 : i32
    %and3A_2 = vector.broadcast %and3A : i32 to vector<1024x1xi32>
    %and3A_3 = arith.andi %convert_element_type3A, %and3A_2 : vector<1024x1xi32>
    %gt3A = arith.constant 0 : i32
    %gt3A_4 = vector.broadcast %gt3A : i32 to vector<1024x1xi32>
    %gt3A_5 = arith.cmpi sgt, %and3A_3, %gt3A_4 : vector<1024x1xi32>
    %and3A_6 = arith.constant 2 : i32
    %and3A_7 = vector.broadcast %and3A_6 : i32 to vector<1024x1xi32>
    %and3A_8 = arith.andi %convert_element_type3A, %and3A_7 : vector<1024x1xi32>
    %gt3A_9 = arith.constant 0 : i32
    %gt3A_10 = vector.broadcast %gt3A_9 : i32 to vector<1024x1xi32>
    %gt3A_11 = arith.cmpi sgt, %and3A_8, %gt3A_10 : vector<1024x1xi32>
    %and3A_12 = arith.constant 4 : i32
    %and3A_13 = vector.broadcast %and3A_12 : i32 to vector<1024x1xi32>
    %and3A_14 = arith.andi %convert_element_type3A, %and3A_13 : vector<1024x1xi32>
    %gt3A_15 = arith.constant 0 : i32
    %gt3A_16 = vector.broadcast %gt3A_15 : i32 to vector<1024x1xi32>
    %gt3A_17 = arith.cmpi sgt, %and3A_14, %gt3A_16 : vector<1024x1xi32>
    %get3A_18 = arith.constant 0 : index
    %get3A_19 = arith.constant 0 : index
    %get3A_20 = vector.load %arg3[%get3A_18, %get3A_19] : memref<1024x128xi32, #tpu.memory_space<vmem>>, vector<1024x100xi32>
    %get3A_21 = arith.constant 0 : index
    %get3A_22 = arith.constant 0 : index
    %get3A_23 = vector.load %arg4[%get3A_21, %get3A_22] : memref<1024x128xi32, #tpu.memory_space<vmem>>, vector<1024x100xi32>
    %shift_left3A = arith.constant 16 : i32
    %shift_left3A_24 = vector.broadcast %shift_left3A : i32 to vector<1024x100xi32>
    %shift_left3A_25 = arith.shli %get3A_20, %shift_left3A_24 : vector<1024x100xi32>
    %bitcast_convert_type3A = tpu.bitcast %shift_left3A_25 : vector<1024x100xi32> -> vector<1024x100xf32>
    %and3A_26 = arith.constant -65536 : i32
    %and3A_27 = vector.broadcast %and3A_26 : i32 to vector<1024x100xi32>
    %and3A_28 = arith.andi %get3A_20, %and3A_27 : vector<1024x100xi32>
    %bitcast_convert_type3A_29 = tpu.bitcast %and3A_28 : vector<1024x100xi32> -> vector<1024x100xf32>
    %broadcast_in_dim3A = vector.shape_cast %gt3A_11 : vector<1024x1xi1> to vector<1024x1xi1>
    %broadcast_in_dim3A_30 = vector.broadcast %broadcast_in_dim3A : vector<1024x1xi1> to vector<1024x100xi1>
    %select_n3A = arith.select %broadcast_in_dim3A_30, %bitcast_convert_type3A_29, %bitcast_convert_type3A : vector<1024x100xi1>, vector<1024x100xf32>
    %shift_left3A_31 = arith.constant 16 : i32
    %shift_left3A_32 = vector.broadcast %shift_left3A_31 : i32 to vector<1024x100xi32>
    %shift_left3A_33 = arith.shli %get3A_23, %shift_left3A_32 : vector<1024x100xi32>
    %bitcast_convert_type3A_34 = tpu.bitcast %shift_left3A_33 : vector<1024x100xi32> -> vector<1024x100xf32>
    %and3A_35 = arith.constant -65536 : i32
    %and3A_36 = vector.broadcast %and3A_35 : i32 to vector<1024x100xi32>
    %and3A_37 = arith.andi %get3A_23, %and3A_36 : vector<1024x100xi32>
    %bitcast_convert_type3A_38 = tpu.bitcast %and3A_37 : vector<1024x100xi32> -> vector<1024x100xf32>
    %broadcast_in_dim3A_39 = vector.shape_cast %gt3A_17 : vector<1024x1xi1> to vector<1024x1xi1>
    %broadcast_in_dim3A_40 = vector.broadcast %broadcast_in_dim3A_39 : vector<1024x1xi1> to vector<1024x100xi1>
    %select_n3A_41 = arith.select %broadcast_in_dim3A_40, %bitcast_convert_type3A_38, %bitcast_convert_type3A_34 : vector<1024x100xi1>, vector<1024x100xf32>
    %broadcast_in_dim3A_42 = vector.shape_cast %gt3A_5 : vector<1024x1xi1> to vector<1024x1xi1>
    %broadcast_in_dim3A_43 = vector.broadcast %broadcast_in_dim3A_42 : vector<1024x1xi1> to vector<1024x100xi1>
    %select_n3A_44 = arith.select %broadcast_in_dim3A_43, %select_n3A_41, %select_n3A : vector<1024x100xi1>, vector<1024x100xf32>
    %broadcast_in_dim3A_45 = vector.shape_cast %gt3A_5 : vector<1024x1xi1> to vector<1024x1xi1>
    %broadcast_in_dim3A_46 = vector.broadcast %broadcast_in_dim3A_45 : vector<1024x1xi1> to vector<1024x100xi1>
    %select_n3A_47 = arith.select %broadcast_in_dim3A_46, %select_n3A, %select_n3A_41 : vector<1024x100xi1>, vector<1024x100xf32>
    %get3A_48 = arith.constant 0 : index
    %get3A_49 = arith.constant 0 : index
    %get3A_50 = vector.load %arg6[%get3A_48, %get3A_49] : memref<1024x172xf32, #tpu.memory_space<vmem>>, vector<1024x172xf32>
    %get3A_51 = arith.constant 0 : index
    %get3A_52 = arith.constant 0 : index
    %get3A_53 = vector.load %arg5[%get3A_51, %get3A_52] : memref<1024x172xf32, #tpu.memory_space<vmem>>, vector<1024x172xf32>
    %broadcast_in_dim3A_54 = vector.shape_cast %gt3A_5 : vector<1024x1xi1> to vector<1024x1xi1>
    %broadcast_in_dim3A_55 = vector.broadcast %broadcast_in_dim3A_54 : vector<1024x1xi1> to vector<1024x172xi1>
    %select_n3A_56 = arith.select %broadcast_in_dim3A_55, %get3A_50, %get3A_53 : vector<1024x172xi1>, vector<1024x172xf32>
    %get3A_57 = arith.constant 0 : index
    %get3A_58 = arith.constant 0 : index
    %get3A_59 = vector.load %arg2[%get3A_57, %get3A_58] : memref<1024x1xf32, #tpu.memory_space<vmem>>, vector<1024x1xf32>
    %get3A_60 = arith.constant 0 : index
    %get3A_61 = arith.constant 0 : index
    %get3A_62 = vector.load %arg7[%get3A_60, %get3A_61] : memref<1x100xf32, #tpu.memory_space<vmem>>, vector<1x100xf32>
    %mul3A = vector.broadcast %get3A_59 : vector<1024x1xf32> to vector<1024x100xf32>
    %mul3A_63 = vector.broadcast %get3A_62 : vector<1x100xf32> to vector<1024x100xf32>
    %mul3A_64 = arith.mulf %mul3A, %mul3A_63 : vector<1024x100xf32>
    %get3A_65 = arith.constant 0 : index
    %get3A_66 = arith.constant 0 : index
    %get3A_67 = vector.load %arg8[%get3A_65, %get3A_66] : memref<1x100xf32, #tpu.memory_space<vmem>>, vector<1x100xf32>
    %add3A = vector.broadcast %get3A_67 : vector<1x100xf32> to vector<1024x100xf32>
    %add3A_68 = arith.addf %mul3A_64, %add3A : vector<1024x100xf32>
    %cos3A = math.cos %add3A_68 : vector<1024x100xf32>
    %get3A_69 = arith.constant 0 : index
    %get3A_70 = arith.constant 0 : index
    %get3A_71 = vector.load %arg9[%get3A_69, %get3A_70] : memref<100x384xf32, #tpu.memory_space<vmem>>, vector<100x384xf32>
    %dot_general3A = arith.constant dense<0.000000e+00> : vector<1024x384xf32>
    %dot_general3A_72 = tpu.matmul %select_n3A_44, %get3A_71, %dot_general3A {dimension_numbers = #tpu.dot_dimension_numbers<[1], [0], [0], [1], [0, 0, 1, 1], [], []>, transpose_lhs_hint = false} : vector<1024x100xf32>, vector<100x384xf32>, vector<1024x384xf32> -> vector<1024x384xf32>
    %get3A_73 = arith.constant 0 : index
    %get3A_74 = arith.constant 0 : index
    %get3A_75 = vector.load %arg10[%get3A_73, %get3A_74] : memref<100x384xf32, #tpu.memory_space<vmem>>, vector<100x384xf32>
    %dot_general3A_76 = arith.constant dense<0.000000e+00> : vector<1024x384xf32>
    %dot_general3A_77 = tpu.matmul %select_n3A_47, %get3A_75, %dot_general3A_76 {dimension_numbers = #tpu.dot_dimension_numbers<[1], [0], [0], [1], [0, 0, 1, 1], [], []>, transpose_lhs_hint = false} : vector<1024x100xf32>, vector<100x384xf32>, vector<1024x384xf32> -> vector<1024x384xf32>
    %add3A_78 = arith.addf %dot_general3A_72, %dot_general3A_77 : vector<1024x384xf32>
    %get3A_79 = arith.constant 0 : index
    %get3A_80 = arith.constant 0 : index
    %get3A_81 = vector.load %arg11[%get3A_79, %get3A_80] : memref<172x384xf32, #tpu.memory_space<vmem>>, vector<172x384xf32>
    %dot_general3A_82 = arith.constant dense<0.000000e+00> : vector<1024x384xf32>
    %dot_general3A_83 = tpu.matmul %select_n3A_56, %get3A_81, %dot_general3A_82 {dimension_numbers = #tpu.dot_dimension_numbers<[1], [0], [0], [1], [0, 0, 1, 1], [], []>, transpose_lhs_hint = false} : vector<1024x172xf32>, vector<172x384xf32>, vector<1024x384xf32> -> vector<1024x384xf32>
    %add3A_84 = arith.addf %add3A_78, %dot_general3A_83 : vector<1024x384xf32>
    %get3A_85 = arith.constant 0 : index
    %get3A_86 = arith.constant 0 : index
    %get3A_87 = vector.load %arg12[%get3A_85, %get3A_86] : memref<100x384xf32, #tpu.memory_space<vmem>>, vector<100x384xf32>
    %dot_general3A_88 = arith.constant dense<0.000000e+00> : vector<1024x384xf32>
    %dot_general3A_89 = tpu.matmul %cos3A, %get3A_87, %dot_general3A_88 {dimension_numbers = #tpu.dot_dimension_numbers<[1], [0], [0], [1], [0, 0, 1, 1], [], []>, transpose_lhs_hint = false} : vector<1024x100xf32>, vector<100x384xf32>, vector<1024x384xf32> -> vector<1024x384xf32>
    %add3A_90 = arith.addf %add3A_84, %dot_general3A_89 : vector<1024x384xf32>
    %get3A_91 = arith.constant 0 : index
    %get3A_92 = arith.constant 0 : index
    %get3A_93 = vector.load %arg14[%get3A_91, %get3A_92] : memref<1x384xf32, #tpu.memory_space<vmem>>, vector<1x384xf32>
    %add3A_94 = vector.broadcast %get3A_93 : vector<1x384xf32> to vector<1024x384xf32>
    %add3A_95 = arith.addf %add3A_90, %add3A_94 : vector<1024x384xf32>
    %get3A_96 = arith.constant 0 : index
    %get3A_97 = arith.constant 0 : index
    %get3A_98 = vector.load %arg13[%get3A_96, %get3A_97] : memref<100x384xf32, #tpu.memory_space<vmem>>, vector<100x384xf32>
    %dot_general3A_99 = arith.constant dense<0.000000e+00> : vector<1024x384xf32>
    %dot_general3A_100 = tpu.matmul %select_n3A, %get3A_98, %dot_general3A_99 {dimension_numbers = #tpu.dot_dimension_numbers<[1], [0], [0], [1], [0, 0, 1, 1], [], []>, transpose_lhs_hint = false} : vector<1024x100xf32>, vector<100x384xf32>, vector<1024x384xf32> -> vector<1024x384xf32>
    %get3A_101 = arith.constant 0 : index
    %get3A_102 = arith.constant 0 : index
    %get3A_103 = vector.load %arg15[%get3A_101, %get3A_102] : memref<1x384xf32, #tpu.memory_space<vmem>>, vector<1x384xf32>
    %add3A_104 = vector.broadcast %get3A_103 : vector<1x384xf32> to vector<1024x384xf32>
    %add3A_105 = arith.addf %dot_general3A_100, %add3A_104 : vector<1024x384xf32>
    %slice3A = vector.extract_strided_slice %add3A_95 {offsets = [0, 0], sizes = [1024, 128], strides = [1, 1]} : vector<1024x384xf32> to vector<1024x128xf32>
    %slice3A_106 = vector.extract_strided_slice %add3A_105 {offsets = [0, 0], sizes = [1024, 128], strides = [1, 1]} : vector<1024x384xf32> to vector<1024x128xf32>
    %add3A_107 = arith.addf %slice3A, %slice3A_106 : vector<1024x128xf32>
    %logistic3A = arith.negf %add3A_107 : vector<1024x128xf32>
    %logistic3A_108 = math.exp %logistic3A : vector<1024x128xf32>
    %logistic3A_109 = arith.constant 1.000000e+00 : f32
    %logistic3A_110 = vector.broadcast %logistic3A_109 : f32 to vector<1024x128xf32>
    %logistic3A_111 = arith.addf %logistic3A_110, %logistic3A_108 : vector<1024x128xf32>
    %logistic3A_112 = arith.divf %logistic3A_110, %logistic3A_111 : vector<1024x128xf32>
    %slice3A_113 = vector.extract_strided_slice %add3A_95 {offsets = [0, 128], sizes = [1024, 128], strides = [1, 1]} : vector<1024x384xf32> to vector<1024x128xf32>
    %slice3A_114 = vector.extract_strided_slice %add3A_105 {offsets = [0, 128], sizes = [1024, 128], strides = [1, 1]} : vector<1024x384xf32> to vector<1024x128xf32>
    %add3A_115 = arith.addf %slice3A_113, %slice3A_114 : vector<1024x128xf32>
    %logistic3A_116 = arith.negf %add3A_115 : vector<1024x128xf32>
    %logistic3A_117 = math.exp %logistic3A_116 : vector<1024x128xf32>
    %logistic3A_118 = arith.constant 1.000000e+00 : f32
    %logistic3A_119 = vector.broadcast %logistic3A_118 : f32 to vector<1024x128xf32>
    %logistic3A_120 = arith.addf %logistic3A_119, %logistic3A_117 : vector<1024x128xf32>
    %logistic3A_121 = arith.divf %logistic3A_119, %logistic3A_120 : vector<1024x128xf32>
    %slice3A_122 = vector.extract_strided_slice %add3A_95 {offsets = [0, 256], sizes = [1024, 128], strides = [1, 1]} : vector<1024x384xf32> to vector<1024x128xf32>
    %slice3A_123 = vector.extract_strided_slice %add3A_105 {offsets = [0, 256], sizes = [1024, 128], strides = [1, 1]} : vector<1024x384xf32> to vector<1024x128xf32>
    %mul3A_124 = arith.mulf %logistic3A_112, %slice3A_123 : vector<1024x128xf32>
    %add3A_125 = arith.addf %slice3A_122, %mul3A_124 : vector<1024x128xf32>
    %tanh3A = math.tanh %add3A_125 : vector<1024x128xf32>
    %slice3A_126 = vector.extract_strided_slice %logistic3A_121 {offsets = [0, 0], sizes = [1024, 100], strides = [1, 1]} : vector<1024x128xf32> to vector<1024x100xf32>
    %sub3A = arith.constant 1.000000e+00 : f32
    %sub3A_127 = vector.broadcast %sub3A : f32 to vector<1024x100xf32>
    %sub3A_128 = arith.subf %sub3A_127, %slice3A_126 : vector<1024x100xf32>
    %slice3A_129 = vector.extract_strided_slice %tanh3A {offsets = [0, 0], sizes = [1024, 100], strides = [1, 1]} : vector<1024x128xf32> to vector<1024x100xf32>
    %mul3A_130 = arith.mulf %sub3A_128, %slice3A_129 : vector<1024x100xf32>
    %slice3A_131 = vector.extract_strided_slice %logistic3A_121 {offsets = [0, 0], sizes = [1024, 100], strides = [1, 1]} : vector<1024x128xf32> to vector<1024x100xf32>
    %mul3A_132 = arith.mulf %slice3A_131, %select_n3A : vector<1024x100xf32>
    %add3A_133 = arith.addf %mul3A_130, %mul3A_132 : vector<1024x100xf32>
    %swap3A = arith.constant 0 : index
    %swap3A_134 = arith.constant 0 : index
    %swap3A_135 = vector.load %arg16[%swap3A, %swap3A_134] : memref<1024x100xf32, #tpu.memory_space<vmem>>, vector<1024x100xf32>
    tpu.vector_store %arg16[%swap3A, %swap3A_134], %add3A_133 {strides = array<i32>} : memref<1024x100xf32, #tpu.memory_space<vmem>>, vector<1024x100xf32>,
    return
  }
  func.func @transform_0(%arg0: i32) -> (i32, i32) {
    %c0_i32 = arith.constant 0 : i32
    %c0_i32_0 = arith.constant 0 : i32
    return %arg0, %c0_i32 : i32, i32
  }
  func.func @transform_1(%arg0: i32) -> (i32, i32) {
    %c0_i32 = arith.constant 0 : i32
    %c0_i32_0 = arith.constant 0 : i32
    return %arg0, %c0_i32 : i32, i32
  }
  func.func @transform_2(%arg0: i32) -> (i32, i32) {
    %c0_i32 = arith.constant 0 : i32
    %c0_i32_0 = arith.constant 0 : i32
    return %arg0, %c0_i32 : i32, i32
  }
  func.func @transform_3(%arg0: i32) -> (i32, i32) {
    %c0_i32 = arith.constant 0 : i32
    %c0_i32_0 = arith.constant 0 : i32
    return %arg0, %c0_i32 : i32, i32
  }
  func.func @transform_4(%arg0: i32) -> (i32, i32) {
    %c0_i32 = arith.constant 0 : i32
    %c0_i32_0 = arith.constant 0 : i32
    return %arg0, %c0_i32 : i32, i32
  }
  func.func @transform_5(%arg0: i32) -> (i32, i32) {
    %c0_i32 = arith.constant 0 : i32
    %c0_i32_0 = arith.constant 0 : i32
    return %arg0, %c0_i32 : i32, i32
  }
  func.func @transform_6(%arg0: i32) -> (i32, i32) {
    %c0_i32 = arith.constant 0 : i32
    %c0_i32_0 = arith.constant 0 : i32
    %c0_i32_1 = arith.constant 0 : i32
    return %c0_i32, %c0_i32_0 : i32, i32
  }
  func.func @transform_7(%arg0: i32) -> (i32, i32) {
    %c0_i32 = arith.constant 0 : i32
    %c0_i32_0 = arith.constant 0 : i32
    %c0_i32_1 = arith.constant 0 : i32
    return %c0_i32, %c0_i32_0 : i32, i32
  }
  func.func @transform_8(%arg0: i32) -> (i32, i32) {
    %c0_i32 = arith.constant 0 : i32
    %c0_i32_0 = arith.constant 0 : i32
    %c0_i32_1 = arith.constant 0 : i32
    return %c0_i32, %c0_i32_0 : i32, i32
  }
  func.func @transform_9(%arg0: i32) -> (i32, i32) {
    %c0_i32 = arith.constant 0 : i32
    %c0_i32_0 = arith.constant 0 : i32
    %c0_i32_1 = arith.constant 0 : i32
    return %c0_i32, %c0_i32_0 : i32, i32
  }
  func.func @transform_10(%arg0: i32) -> (i32, i32) {
    %c0_i32 = arith.constant 0 : i32
    %c0_i32_0 = arith.constant 0 : i32
    %c0_i32_1 = arith.constant 0 : i32
    return %c0_i32, %c0_i32_0 : i32, i32
  }
  func.func @transform_11(%arg0: i32) -> (i32, i32) {
    %c0_i32 = arith.constant 0 : i32
    %c0_i32_0 = arith.constant 0 : i32
    %c0_i32_1 = arith.constant 0 : i32
    return %c0_i32, %c0_i32_0 : i32, i32
  }
  func.func @transform_12(%arg0: i32) -> (i32, i32) {
    %c0_i32 = arith.constant 0 : i32
    %c0_i32_0 = arith.constant 0 : i32
    %c0_i32_1 = arith.constant 0 : i32
    return %c0_i32, %c0_i32_0 : i32, i32
  }
  func.func @transform_13(%arg0: i32) -> (i32, i32) {
    %c0_i32 = arith.constant 0 : i32
    %c0_i32_0 = arith.constant 0 : i32
    %c0_i32_1 = arith.constant 0 : i32
    return %c0_i32, %c0_i32_0 : i32, i32
  }
  func.func @transform_14(%arg0: i32) -> (i32, i32) {
    %c0_i32 = arith.constant 0 : i32
    %c0_i32_0 = arith.constant 0 : i32
    %c0_i32_1 = arith.constant 0 : i32
    return %c0_i32, %c0_i32_0 : i32, i32
  }
  func.func @transform_15(%arg0: i32) -> (i32, i32) {
    %c0_i32 = arith.constant 0 : i32
    %c0_i32_0 = arith.constant 0 : i32
    return %arg0, %c0_i32 : i32, i32
  }
}

</mosaic_0001>

<sc_bundles>
// kernel: kernel.10.cloned.1.call-start
scs
__scs_entry_jumppad:
0x0: {  	(pc) =	sbr.rel $0x88, $3  }
0x1: {  	(tag) =	ssettag $0x0;
	lr =	simm.s32 $0x1  }
0x2: {  	[smem:$0x3F92] =	sst lr;
	_ =	strace $0xD0000000  }
0x3: {  	_ = 	snop  }
0x4: {  	_ = 	snop  }
0x5: {  	_ = 	snop  }
0x6: {  	_ = 	snop  }
0x7: {  	_ = 	snop  }
__scs_overlays_trampoline_lowered:
0x8: {  	[smem:$0x3FA1] =	sst s0  }
0x9: {  	[smem:$0x3FA2] =	sst s1  }
0xa: {  	[smem:$0x3FA3] =	sst s2  }
0xb: {  	[smem:$0x3FA4] =	sst s3  }
0xc: {  	[smem:$0x3FA5] =	sst s4  }
0xd: {  	[smem:$0x3FA6] =	sst s5  }
0xe: {  	[smem:$0x3FA7] =	sst s6  }
0xf: {  	[smem:$0x3FA8] =	sst s7  }
0x10: {  	[smem:$0x3FA9] =	sst s8  }
0x11: {  	[smem:$0x3FAA] =	sst s9;
	s0 =	simm.s32 @!p0 $0x0  }
0x12: {  	s1 =	sld [smem:$0x3F90];
	s0 =	simm.s32 @p0 $0x1  }
0x13: {  	[smem:$0x3FAB] =	sst s0;
	s0 =	simm.s32 @!p1 $0x0  }
0x14: {  	s2 =	sld [smem:$0x3F8F];
	s0 =	simm.s32 @p1 $0x1  }
0x15: {  	[smem:$0x3FAC] =	sst s0;
	s0 =	simm.s32 @!p2 $0x0  }
0x16: {  	s3 =	sld [smem:$0x3FDB];
	s0 =	simm.s32 @p2 $0x1  }
0x17: {  	s4 =	simm.s32 $0x1BF5;
	[smem:$0x3FAE] =	sst s0  }
0x18: {  	s0 =	sld [smem:$0x3F91];
	_ =	swait.ge [sflag:s4], $0x0  }
0x19: {  	s7 =	sld [smem:$0x3F92]  }
0x1a: {  	s8 =	sadd.s32 $0xFFFFE003, lr  }
0x1b: {  	s9 =	sadd.s32 $0xFFFFFEF7, lr;
	s5 =	simm.s32 $0xFFFFFFFF;
	p2 =	slt.u32 s8, $0xFFFFF086  }
0x1c: {  	p1 =	slt.u32 s9, $0xF7A;
	s5 =	simm.s32 @!p2 $0x0  }
0x1d: {  	s5 =	simm.s32 @p1 $0x1;
	p0 =	seq.s32 s7, s2  }
0x1e: {  	s7 =	smul.u32 @!p0 $0xF7A, s2;
	p2 =	seq.s32 @!p0 s5, $0x0  }
0x1f: {  	s9 =	smul.u32 $0xF7A, s1;
	s8 =	simm.s32 @!p0 $0x1BF5;
	p2 =	por !p2, p0  }
0x20: {  	[sflag:s8] =	ssyncset.s32 @!p0 $0xFFFFF086;
	s6 =	sadd.s32 @!p0 s3, s7;
	s7 =	simm.s32 @!p0 $0x108  }
0x21: {  	s3 =	sadd.s32 s3, s9;
	s6 =	sadd.s32 @!p0 $0x88, s6;
	s7 =	simm.s32 @p2 $0x1082  }
0x22: {  	[simem:s7], [sflag:s8] =	dma.local @!p0 [hbm:s6], $0xF7A  }
0x23: {  	s9 =	sor.u32 $0xD0000000, s2;
	s6 =	simm.s32 $0x108;
	_ =	swait.ge @!p0 [sflag:s8], $0x0  }
0x24: {  	s3 =	sadd.s32 $0x88, s3;
	s6 =	simm.s32 @!p1 $0x1082;
	[sflag:s4] =	ssyncset.s32 $0xFFFFF086  }
0x25: {  	[simem:s6], [sflag:s4] =	dma.local [hbm:s3], $0xF7A  }
0x26: {  	[smem:$0x3F92] =	sst s1;
	(tag) =	ssettag s2;
	_ =	strace s9  }
0x27: {  	s1 =	sld [smem:$0x3FA2]  }
0x28: {  	s2 =	sld [smem:$0x3FA3]  }
0x29: {  	s4 =	sld [smem:$0x3FA5]  }
0x2a: {  	p0 =	seq.s32 s5, $0x0;
	s5 =	sld [smem:$0x3FA6]  }
0x2b: {  	s6 =	sld [smem:$0x3FA7]  }
0x2c: {  	s7 =	sld [smem:$0x3FA8]  }
0x2d: {  	s3 =	simm.s32 $0x108;
	s8 =	sld [smem:$0x3FA9]  }
0x2e: {  	s3 =	simm.s32 @!p0 $0x1082;
	s9 =	sld [smem:$0x3FAA]  }
0x2f: {  	lr =	sadd.s32 s0, s3;
	s0 =	sld [smem:$0x3FA1]  }
0x30: {  	s3 =	sld [smem:$0x3FA4]  }
0x31: {  	[smem:$0x3FAD] =	sst s10  }
0x32: {  	s10 =	sld [smem:$0x3FAB];
	_ =	sdelay $0x3  }
0x33: {  	p0 =	seq.s32 s10, $0x1;
	s10 =	sld [smem:$0x3FAD];
	_ =	sdelay $0x3  }
0x34: {  	[smem:$0x3FAD] =	sst s10  }
0x35: {  	s10 =	sld [smem:$0x3FAC];
	_ =	sdelay $0x3  }
0x36: {  	p1 =	seq.s32 s10, $0x1;
	s10 =	sld [smem:$0x3FAD];
	_ =	sdelay $0x3  }
0x37: {  	[smem:$0x3FAD] =	sst s10  }
0x38: {  	s10 =	sld [smem:$0x3FAE]  }
0x39: {  	_ = 	snop;
	(pc) =	sbr.ind lr, $3  }
0x3a: {  	_ = 	snop  }
0x3b: {  	_ = 	snop  }
0x3c: {  	p2 =	seq.s32 s10, $0x1;
	s10 =	sld [smem:$0x3FAD]  }
0x3d: {  	_ =	shalt  }
0x3e: {  	_ =	shalt  }
0x3f: {  	_ =	shalt  }
0x40: {  	_ =	shalt  }
0x41: {  	_ =	shalt  }
0x42: {  	_ =	shalt  }
0x43: {  	_ =	shalt  }
0x44: {  	_ =	shalt  }
0x45: {  	_ =	shalt  }
0x46: {  	_ =	shalt  }
0x47: {  	_ =	shalt  }
0x48: {  	_ =	shalt  }
0x49: {  	_ =	shalt  }
0x4a: {  	_ =	shalt  }
0x4b: {  	_ =	shalt  }
0x4c: {  	_ =	shalt  }
0x4d: {  	_ =	shalt  }
0x4e: {  	_ =	shalt  }
0x4f: {  	_ =	shalt  }
0x50: {  	_ =	shalt  }
0x51: {  	_ =	shalt  }
0x52: {  	_ =	shalt  }
0x53: {  	_ =	shalt  }
0x54: {  	_ =	shalt  }
0x55: {  	_ =	shalt  }
0x56: {  	_ =	shalt  }
0x57: {  	_ =	shalt  }
0x58: {  	_ =	shalt  }
0x59: {  	_ =	shalt  }
0x5a: {  	_ =	shalt  }
0x5b: {  	_ =	shalt  }
0x5c: {  	_ =	shalt  }
0x5d: {  	_ =	shalt  }
0x5e: {  	_ =	shalt  }
0x5f: {  	_ =	shalt  }
0x60: {  	_ =	shalt  }
0x61: {  	_ =	shalt  }
0x62: {  	_ =	shalt  }
0x63: {  	_ =	shalt  }
0x64: {  	_ =	shalt  }
0x65: {  	_ =	shalt  }
0x66: {  	_ =	shalt  }
0x67: {  	_ =	shalt  }
0x68: {  	_ =	shalt  }
0x69: {  	_ =	shalt  }
0x6a: {  	_ =	shalt  }
0x6b: {  	_ =	shalt  }
0x6c: {  	_ =	shalt  }
0x6d: {  	_ =	shalt  }
0x6e: {  	_ =	shalt  }
0x6f: {  	_ =	shalt  }
0x70: {  	_ =	shalt  }
0x71: {  	_ =	shalt  }
0x72: {  	_ =	shalt  }
0x73: {  	_ =	shalt  }
0x74: {  	_ =	shalt  }
0x75: {  	_ =	shalt  }
0x76: {  	_ =	shalt  }
0x77: {  	_ =	shalt  }
0x78: {  	_ =	shalt  }
0x79: {  	_ =	shalt  }
0x7a: {  	_ =	shalt  }
0x7b: {  	_ =	shalt  }
0x7c: {  	_ =	shalt  }
0x7d: {  	_ =	shalt  }
0x7e: {  	_ =	shalt  }
0x7f: {  	_ =	shalt  }
0x80: {  	_ =	shalt  }
0x81: {  	_ =	shalt  }
0x82: {  	_ =	shalt  }
0x83: {  	_ =	shalt  }
0x84: {  	_ =	shalt  }
0x85: {  	_ =	shalt  }
0x86: {  	_ =	shalt  }
0x87: {  	_ =	shalt  }
.Lfunc_end0:
.L_simem_size_0:
called_computation.1_lowered:
.L_overlay_start_0:
0x88: {  	s2 =	sld [smem:$0x3FD9]  }
0x89: {  	s3 =	sld [smem:$0x3FFE];
	_ =	sdelay $0x1  }
0x8a: {  	s1 =	srdreg.scid  }
0x8b: {  	s0 =	sand.u32 $0x1, s1  }
0x8c: {  	s15 =	sshll.u32 s0, $0xA;
	s2 =	sadd.s32 s3, s2  }
0x8d: {  	s2 =	sadd.s32 s2, s15  }
0x8e: {  	[smem:$0x3FB9] =	sst s2  }
0x8f: {  	_ = 	snop  }
0x90: {  	s16 =	sld [smem:$0x3FD0];
	_ =	sdelay $0x2  }
0x91: {  	s4 =	simm.s32 $0xB;
	s5 =	simm.s32 $0x10;
	s2 =	sld [smem:$0x3FC7]  }
0x92: {  	[smem:s5], [sflag:s4] =	dma.local [hbm:s16], $0x1  }
0x93: {  	_ =	swait.eq [sflag:s4], $0x1  }
0x94: {  	[sflag:s4] =	ssyncset.done $0x0  }
0x95: {  	[sflag:s4] =	ssyncadd.s32 $0xFFFFFFFF  }
0x96: {  	s17 =	sld [smem:$0x11];
	(tm) =	ssettm $0x1  }
0x97: {  	s18 =	sld [smem:$0x3FFB];
	_ =	sdelay $0x3  }
0x98: {  	_ =	strace s18  }
0x99: {  	s3 =	sld [smem:$0x3FFC];
	_ =	sdelay $0x3  }
0x9a: {  	_ =	strace s3  }
0x9b: {  	s3 =	sld [smem:$0x3FFD];
	_ =	sdelay $0x3  }
0x9c: {  	_ =	strace s3  }
0x9d: {  	_ =	strace $0x8FFFFFFF  }
0x9e: {  	s19 =	sld [smem:$0x3FDB];
	_ =	sdelay $0x1  }
0x9f: {  	s20 =	simm.s32 $_scs_section_size  }
0xa0: {  	s6 =	simm.s32 $_size__tile_overlayer_lowered;
	s7 =	simm.s32 $_tile_overlayer_lowered  }
0xa1: {  	s8 =	simm.s32 $0x1BFF;
	s21 =	sshll.u32 s7, $0x1;
	s5 =	sadd.s32 s20, s19  }
0xa2: {  	s22 =	simm.s32 $0x0;
	s6 =	sshll.u32 s6, $0x1;
	s7 =	sadd.s32 s21, s5  }
0xa3: {  	[timem:s22], [sflag:s8] =	dma.local [hbm:s7], s6  }
0xa4: {  	_ =	swait.ge [sflag:s8], s6  }
0xa5: {  	s6 =	ssub.s32 $0x0, s6;
	[sflag:s8] =	ssyncset.done $0x0  }
0xa6: {  	[sflag:s8] =	ssyncadd.s32 s6;
	_ =	sdelay $0x1  }
0xa7: {  	s23 =	simm.s32 $0x1B8B  }
0xa8: {  	_ =	swait.ge [sflag:s23], $0x1  }
0xa9: {  	[sflag:s23] =	ssyncset.done $0x0  }
0xaa: {  	[sflag:s23] =	ssyncadd.s32 $0xFFFFFFFF  }
0xab: {  	s6 =	sld [smem:$0x0]  }
0xac: {  	s7 =	sand.u32 $0xFFFFFFFE, s1  }
0xad: {  	p0 =	sne.s32 s1, s7  }
0xae: {  	s7 =	sshll.u32 @p0 s7, $0xE  }
0xaf: {  	s7 =	sadd.s32 @p0 $0x11B8D, s7;
	s8 =	sshll.u32 @p0 s6, $0x11  }
0xb0: {  	s7 =	sor.u32 @p0 s8, s7  }
0xb1: {  	[sflag:s7] =	ssyncadd.remote.s32 @p0 $0x1;
	_ =	sdelay $0x1  }
0xb2: {  	s7 =	simm.s32 @p0 $0x1B8D  }
0xb3: {  	_ =	swait.eq @p0 [sflag:s7], $0x1  }
0xb4: {  	[sflag:s7] =	ssyncadd.s32 @p0 $0xFFFFFFFF  }
0xb5: {  	s8 =	sshll.u32 @!p0 s1, $0xE  }
0xb6: {  	s8 =	sor.u32 @!p0 $0x4000, s8;
	s7 =	simm.s32 @!p0 $0x1B8D  }
0xb7: {  	s6 =	sshll.u32 @!p0 s6, $0x11;
	s8 =	sadd.s32 @!p0 $0x11B8D, s8;
	_ =	swait.eq @!p0 [sflag:s7], $0x1  }
0xb8: {  	s6 =	sor.u32 @!p0 s6, s8;
	[sflag:s7] =	ssyncadd.s32 @!p0 $0xFFFFFFFF  }
0xb9: {  	s25 =	simm.s32 $0x1B8E;
	s24 =	sld [smem:$0x3FFE];
	[sflag:s6] =	ssyncadd.remote.s32 @!p0 $0x1  }
0xba: {  	s26 =	simm.s32 $execute0_lowered;
	[smem:$0x3FD2] =	sst s25  }
0xbb: {  	s7 =	sshll.u32 s26, $0x1;
	_ =	strace $0x8000004C;
	[dreg:$0x1] =	wrdreg $0xFFFFFFFF  }
0xbc: {  	s28 =	simm.s32 $_size_execute0_lowered;
	s5 =	sadd.s32 s5, s7;
	[dreg:$0x0] =	wrdreg $0x0  }
0xbd: {  	s7 =	sshll.u32 s28, $0x1;
	[dreg:$0x2] =	wrdreg s5  }
0xbe: {  	[dreg:$0x3] =	wrdreg s7  }
0xbf: {  	[dreg:$0x4] =	wrdreg $0xC0  }
0xc0: {  	_ =	task [dreg:s22], $0x5FFFF  }
0xc1: {  	[dreg:$0x1] =	wrdreg $0xFFFFFFFF  }
0xc2: {  	[dreg:$0x0] =	wrdreg $0x60  }
0xc3: {  	[dreg:$0x2] =	wrdreg s24  }
0xc4: {  	[dreg:$0x3] =	wrdreg s2  }
0xc5: {  	[dreg:$0x4] =	wrdreg s17  }
0xc6: {  	[dreg:$0x5] =	wrdreg $0xA  }
0xc7: {  	_ =	task.clear_ibuf [dreg:s22], $0x6FFFF;
	_ =	strace $0x9000004C  }
0xc8: {  	s29 =	simm.s32 $0xA;
	_ =	strace $0x8000004E  }
0xc9: {  	_ =	swait.ge [sflag:s29], $0x1  }
0xca: {  	[sflag:s29] =	ssyncadd.s32 $0xFFFFFFFF  }
0xcb: {  	_ =	strace $0x9000004E  }
0xcc: {  	_ =	sfence  }
0xcd: {  	s30 =	sld [smem:$0x0];
	_ =	sdelay $0x2  }
0xce: {  	s31 =	sshll.u32 s1, $0xD;
	s1 =	sshrl.u32 s1, $0x2  }
0xcf: {  	s4 =	sand.u32 $0x4000, s31;
	s1 =	sadd.s32 s1, s30  }
0xd0: {  	s0 =	sor.u32 s4, s0;
	s1 =	sshll.u32 s1, $0x11  }
0xd1: {  	s0 =	sor.u32 s1, s0  }
0xd2: {  	s0 =	sadd.s32 $0x8F2B, s0  }
0xd3: {  	[sflag:s0] =	ssyncadd.remote.s32 $0x1  }
0xd4: {  	_ =	sfence.sel $0xFFFF  }
0xd5: {  	[dreg:$0x0] =	wrdreg $0xFFFFFFFF;
	(pc) =	sbr.abs _section_cstart, $3  }
0xd6: {  	[dreg:$0x1] =	wrdreg $0xFFFFFFFF  }
0xd7: {  	_ =	task.clear_ibuf [dreg:s22], $0x2FFFF;
	_ =	strace $0x9FFFFFFF  }
0xd8: {  	(tm) =	ssettm $0x7FFFFFFF  }
0xd9: {  	_ =	shalt  }
tec
execute0_lowered:
.L_overlay_start_1:
0x0: {  	(tag) =	ssettag $0x1  }
0x1: {  	s5 =	rddreg [dreg:$0x0]  }
0x2: {  	s3 =	rddreg [dreg:$0x1]  }
0x3: {  	s8 =	rddreg [dreg:$0x2];
	s2 =	srdreg.scid  }
0x4: {  	s0 =	rddreg [dreg:$0x3];
	s1 =	stileid.u32;
	s6 =	sand.u32 $0x1, s2  }
0x5: {  	s2 =	simm.s32 $0x0;
	s4 =	sshll.u32 s1, $0x7;
	s7 =	sshll.u32 s6, $0x6  }
0x6: {  	[smem:$0x7FF] =	sst s2;
	s10 =	ssub.s32 $0x2, s6;
	s9 =	sor.u32 s7, s4  }
0x7: {  	_ =	strace $0x8000004D;
	s4 =	sadd.s32 s3, s9;
	s3 =	simm.s32 $0x2  }
0x8: {  	[tilespmem:s2], [sflag:$0x2] =	stream.linear.gather [hbm4b:s4+s2], $0x200, $0x38;
	[tilespmem:$0x400] =	vst v63  }
0x9: {  	s5 =	sadd.s32 $0x3800, s5;
	s11 =	sshrl.u32 s10, $0x1;
	_ =	swait.ge [sflag:s3], $0x200  }
0xa: {  	s6 =	simm.s32 $0x200;
	s10 =	ssub.s32 s10, s11;
	[sflag:s3] =	ssyncset.done $0x0  }
0xb: {  	s7 =	simm.s32 $0x1;
	s31 =	smax.u32 s10, $0x1;
	[sflag:s3] =	ssyncadd.s32 $0xFFFFFE00  }
0xc: {  	[tilespmem:s6], [sflag:$0x1] =	stream.indirect.gather [hbm4b:s5+s6], $0x1, s2, s6, $0xb8;
	[tilespmem:$0x400] =	vst v63  }
0xd: {  	p0 =	sne.s32 s31, $0x1;
	_ =	swait.ge [sflag:s7], $0x200  }
.Ltmp0:
0xe: {  	[sflag:s7] =	ssyncset.done $0x0;
	(pc) =	sbr.rel @!p0 .LBB2_2-.Ltmp0, $4  }
0xf: {  	s8 =	sadd.s32 s8, s9;
	[sflag:s7] =	ssyncadd.s32 $0xFFFFFE00  }
0x10: {  	[hbm4b:s8+s2] =	stream.linear.scatter [tilespmem:s6], [sflag:$0x2], $0x200, $0x38;
	[tilespmem:$0x400] =	vst v63  }
0x11: {  	_ =	swait.ge [sflag:s3], $0x200  }
0x12: {  	s9 =	sadd.s32 $0xFFFFFFFF, s31;
	[sflag:s3] =	ssyncset.done $0x0  }
.LBB2_1:
0x13: {  	p0 =	sne.s32 s9, $0x1;
	s9 =	sadd.s32 $0xFFFFFFFF, s9;
	[sflag:s3] =	ssyncadd.s32 $0xFFFFFE00  }
0x14: {  	[tilespmem:s2], [sflag:$0x2] =	stream.linear.gather [hbm4b:s4+s2], $0x200, $0x38;
	[tilespmem:$0x400] =	vst v63  }
0x15: {  	_ =	swait.ge [sflag:s3], $0x200  }
0x16: {  	[sflag:s3] =	ssyncset.done $0x0  }
0x17: {  	[sflag:s3] =	ssyncadd.s32 $0xFFFFFE00  }
0x18: {  	[tilespmem:s6], [sflag:$0x1] =	stream.indirect.gather [hbm4b:s5+s6], $0x1, s2, s6, $0xb8;
	[tilespmem:$0x400] =	vst v63  }
0x19: {  	_ =	swait.ge [sflag:s7], $0x200  }
.Ltmp1:
0x1a: {  	[sflag:s7] =	ssyncset.done $0x0;
	(pc) =	sbr.rel @p0 .LBB2_1-.Ltmp1, $4  }
0x1b: {  	[sflag:s7] =	ssyncadd.s32 $0xFFFFFE00  }
0x1c: {  	[hbm4b:s8+s2] =	stream.linear.scatter [tilespmem:s6], [sflag:$0x2], $0x200, $0x38;
	[tilespmem:$0x400] =	vst v63  }
0x1d: {  	_ =	swait.ge [sflag:s3], $0x200  }
0x1e: {  	[sflag:s3] =	ssyncset.done $0x0  }
.LBB2_2:
0x1f: {  	[sflag:s3] =	ssyncadd.s32 $0xFFFFFE00  }
0x20: {  	_ =	sfence.sel $0x180000  }
0x21: {  	[bflag:$0x0] =	sbarrier.arrive $0xFFFF  }
0x22: {  	p0 =	sne.s32 s1, $0x0;
	_ =	strace $0x9000004D  }
0x23: {  	s0 =	sadd.s32 @!p0 $0x100000, s0;
	[bflag:$0x2] =	sbarrier.arrive $0xFFFF  }
0x24: {  	[sflag:s0] =	ssyncadd.tile.s32 @!p0 $0x1;
	_ =	shalt  }
.Lfunc_end2:
_tile_overlayer_lowered:
.L_overlay_start_2:
0x25: {  	(tag) =	ssettag $0x2  }
0x26: {  	s0 =	rddreg [dreg:$0x0];
	s2 =	stileid.u32  }
0x27: {  	s1 =	rddreg [dreg:$0x1];
	p0 =	sne.s32 s2, $0x0  }
0x28: {  	s3 =	rddreg [dreg:$0x2];
	[bflag:$0x3] =	sbarrier.arrive $0xFFFF;
	s2 =	simm.s32 @!p0 $0x1C02  }
0x29: {  	[timem:s3], [sflag:s2] =	dma.local @!p0 [hbm:s0], s1  }
0x2a: {  	s0 =	simm.s32 @!p0 $0x2  }
0x2b: {  	_ =	swait.ge @!p0 [sflag:s0], s1  }
0x2c: {  	s1 =	ssub.s32 @!p0 $0x0, s1;
	[sflag:s0] =	ssyncset.done @!p0 $0x0  }
0x2d: {  	[sflag:s0] =	ssyncadd.s32 @!p0 s1  }
0x2e: {  	[bflag:$0x3] =	sbarrier.arrive $0xFFFF  }
0x2f: {  	_ =	shalt  }

// kernel: kernel.13.cloned.1.call-start
scs
__scs_entry_jumppad:
0x0: {  	(pc) =	sbr.rel $0x88, $3  }
0x1: {  	(tag) =	ssettag $0x0;
	lr =	simm.s32 $0x1  }
0x2: {  	[smem:$0x3F92] =	sst lr;
	_ =	strace $0xD0000000  }
0x3: {  	_ = 	snop  }
0x4: {  	_ = 	snop  }
0x5: {  	_ = 	snop  }
0x6: {  	_ = 	snop  }
0x7: {  	_ = 	snop  }
__scs_overlays_trampoline_lowered:
0x8: {  	[smem:$0x3FA1] =	sst s0  }
0x9: {  	[smem:$0x3FA2] =	sst s1  }
0xa: {  	[smem:$0x3FA3] =	sst s2  }
0xb: {  	[smem:$0x3FA4] =	sst s3  }
0xc: {  	[smem:$0x3FA5] =	sst s4  }
0xd: {  	[smem:$0x3FA6] =	sst s5  }
0xe: {  	[smem:$0x3FA7] =	sst s6  }
0xf: {  	[smem:$0x3FA8] =	sst s7  }
0x10: {  	[smem:$0x3FA9] =	sst s8  }
0x11: {  	[smem:$0x3FAA] =	sst s9;
	s0 =	simm.s32 @!p0 $0x0  }
0x12: {  	s1 =	sld [smem:$0x3F90];
	s0 =	simm.s32 @p0 $0x1  }
0x13: {  	[smem:$0x3FAB] =	sst s0;
	s0 =	simm.s32 @!p1 $0x0  }
0x14: {  	s2 =	sld [smem:$0x3F8F];
	s0 =	simm.s32 @p1 $0x1  }
0x15: {  	[smem:$0x3FAC] =	sst s0;
	s0 =	simm.s32 @!p2 $0x0  }
0x16: {  	s3 =	sld [smem:$0x3FDB];
	s0 =	simm.s32 @p2 $0x1  }
0x17: {  	s4 =	simm.s32 $0x1BF5;
	[smem:$0x3FAE] =	sst s0  }
0x18: {  	s0 =	sld [smem:$0x3F91];
	_ =	swait.ge [sflag:s4], $0x0  }
0x19: {  	s7 =	sld [smem:$0x3F92]  }
0x1a: {  	s8 =	sadd.s32 $0xFFFFE003, lr  }
0x1b: {  	s9 =	sadd.s32 $0xFFFFFEF7, lr;
	s5 =	simm.s32 $0xFFFFFFFF;
	p2 =	slt.u32 s8, $0xFFFFF086  }
0x1c: {  	p1 =	slt.u32 s9, $0xF7A;
	s5 =	simm.s32 @!p2 $0x0  }
0x1d: {  	s5 =	simm.s32 @p1 $0x1;
	p0 =	seq.s32 s7, s2  }
0x1e: {  	s7 =	smul.u32 @!p0 $0xF7A, s2;
	p2 =	seq.s32 @!p0 s5, $0x0  }
0x1f: {  	s9 =	smul.u32 $0xF7A, s1;
	s8 =	simm.s32 @!p0 $0x1BF5;
	p2 =	por !p2, p0  }
0x20: {  	[sflag:s8] =	ssyncset.s32 @!p0 $0xFFFFF086;
	s6 =	sadd.s32 @!p0 s3, s7;
	s7 =	simm.s32 @!p0 $0x108  }
0x21: {  	s3 =	sadd.s32 s3, s9;
	s6 =	sadd.s32 @!p0 $0x88, s6;
	s7 =	simm.s32 @p2 $0x1082  }
0x22: {  	[simem:s7], [sflag:s8] =	dma.local @!p0 [hbm:s6], $0xF7A  }
0x23: {  	s9 =	sor.u32 $0xD0000000, s2;
	s6 =	simm.s32 $0x108;
	_ =	swait.ge @!p0 [sflag:s8], $0x0  }
0x24: {  	s3 =	sadd.s32 $0x88, s3;
	s6 =	simm.s32 @!p1 $0x1082;
	[sflag:s4] =	ssyncset.s32 $0xFFFFF086  }
0x25: {  	[simem:s6], [sflag:s4] =	dma.local [hbm:s3], $0xF7A  }
0x26: {  	[smem:$0x3F92] =	sst s1;
	(tag) =	ssettag s2;
	_ =	strace s9  }
0x27: {  	s1 =	sld [smem:$0x3FA2]  }
0x28: {  	s2 =	sld [smem:$0x3FA3]  }
0x29: {  	s4 =	sld [smem:$0x3FA5]  }
0x2a: {  	p0 =	seq.s32 s5, $0x0;
	s5 =	sld [smem:$0x3FA6]  }
0x2b: {  	s6 =	sld [smem:$0x3FA7]  }
0x2c: {  	s7 =	sld [smem:$0x3FA8]  }
0x2d: {  	s3 =	simm.s32 $0x108;
	s8 =	sld [smem:$0x3FA9]  }
0x2e: {  	s3 =	simm.s32 @!p0 $0x1082;
	s9 =	sld [smem:$0x3FAA]  }
0x2f: {  	lr =	sadd.s32 s0, s3;
	s0 =	sld [smem:$0x3FA1]  }
0x30: {  	s3 =	sld [smem:$0x3FA4]  }
0x31: {  	[smem:$0x3FAD] =	sst s10  }
0x32: {  	s10 =	sld [smem:$0x3FAB];
	_ =	sdelay $0x3  }
0x33: {  	p0 =	seq.s32 s10, $0x1;
	s10 =	sld [smem:$0x3FAD];
	_ =	sdelay $0x3  }
0x34: {  	[smem:$0x3FAD] =	sst s10  }
0x35: {  	s10 =	sld [smem:$0x3FAC];
	_ =	sdelay $0x3  }
0x36: {  	p1 =	seq.s32 s10, $0x1;
	s10 =	sld [smem:$0x3FAD];
	_ =	sdelay $0x3  }
0x37: {  	[smem:$0x3FAD] =	sst s10  }
0x38: {  	s10 =	sld [smem:$0x3FAE]  }
0x39: {  	_ = 	snop;
	(pc) =	sbr.ind lr, $3  }
0x3a: {  	_ = 	snop  }
0x3b: {  	_ = 	snop  }
0x3c: {  	p2 =	seq.s32 s10, $0x1;
	s10 =	sld [smem:$0x3FAD]  }
0x3d: {  	_ =	shalt  }
0x3e: {  	_ =	shalt  }
0x3f: {  	_ =	shalt  }
0x40: {  	_ =	shalt  }
0x41: {  	_ =	shalt  }
0x42: {  	_ =	shalt  }
0x43: {  	_ =	shalt  }
0x44: {  	_ =	shalt  }
0x45: {  	_ =	shalt  }
0x46: {  	_ =	shalt  }
0x47: {  	_ =	shalt  }
0x48: {  	_ =	shalt  }
0x49: {  	_ =	shalt  }
0x4a: {  	_ =	shalt  }
0x4b: {  	_ =	shalt  }
0x4c: {  	_ =	shalt  }
0x4d: {  	_ =	shalt  }
0x4e: {  	_ =	shalt  }
0x4f: {  	_ =	shalt  }
0x50: {  	_ =	shalt  }
0x51: {  	_ =	shalt  }
0x52: {  	_ =	shalt  }
0x53: {  	_ =	shalt  }
0x54: {  	_ =	shalt  }
0x55: {  	_ =	shalt  }
0x56: {  	_ =	shalt  }
0x57: {  	_ =	shalt  }
0x58: {  	_ =	shalt  }
0x59: {  	_ =	shalt  }
0x5a: {  	_ =	shalt  }
0x5b: {  	_ =	shalt  }
0x5c: {  	_ =	shalt  }
0x5d: {  	_ =	shalt  }
0x5e: {  	_ =	shalt  }
0x5f: {  	_ =	shalt  }
0x60: {  	_ =	shalt  }
0x61: {  	_ =	shalt  }
0x62: {  	_ =	shalt  }
0x63: {  	_ =	shalt  }
0x64: {  	_ =	shalt  }
0x65: {  	_ =	shalt  }
0x66: {  	_ =	shalt  }
0x67: {  	_ =	shalt  }
0x68: {  	_ =	shalt  }
0x69: {  	_ =	shalt  }
0x6a: {  	_ =	shalt  }
0x6b: {  	_ =	shalt  }
0x6c: {  	_ =	shalt  }
0x6d: {  	_ =	shalt  }
0x6e: {  	_ =	shalt  }
0x6f: {  	_ =	shalt  }
0x70: {  	_ =	shalt  }
0x71: {  	_ =	shalt  }
0x72: {  	_ =	shalt  }
0x73: {  	_ =	shalt  }
0x74: {  	_ =	shalt  }
0x75: {  	_ =	shalt  }
0x76: {  	_ =	shalt  }
0x77: {  	_ =	shalt  }
0x78: {  	_ =	shalt  }
0x79: {  	_ =	shalt  }
0x7a: {  	_ =	shalt  }
0x7b: {  	_ =	shalt  }
0x7c: {  	_ =	shalt  }
0x7d: {  	_ =	shalt  }
0x7e: {  	_ =	shalt  }
0x7f: {  	_ =	shalt  }
0x80: {  	_ =	shalt  }
0x81: {  	_ =	shalt  }
0x82: {  	_ =	shalt  }
0x83: {  	_ =	shalt  }
0x84: {  	_ =	shalt  }
0x85: {  	_ =	shalt  }
0x86: {  	_ =	shalt  }
0x87: {  	_ =	shalt  }
.Lfunc_end0:
.L_simem_size_0:
called_computation.2_lowered:
.L_overlay_start_0:
0x88: {  	s2 =	sld [smem:$0x3FD9]  }
0x89: {  	s3 =	sld [smem:$0x3FFE];
	_ =	sdelay $0x1  }
0x8a: {  	s1 =	srdreg.scid  }
0x8b: {  	s0 =	sand.u32 $0x1, s1  }
0x8c: {  	s17 =	sshll.u32 s0, $0xA;
	s2 =	sadd.s32 s3, s2  }
0x8d: {  	s2 =	sadd.s32 s2, s17  }
0x8e: {  	[smem:$0x3FB9] =	sst s2  }
0x8f: {  	_ = 	snop  }
0x90: {  	s18 =	sld [smem:$0x3FC8]  }
0x91: {  	s4 =	sld [smem:$0x3FC7]  }
0x92: {  	s5 =	sld [smem:$0x3FC6]  }
0x93: {  	s6 =	sld [smem:$0x3FC5]  }
0x94: {  	s7 =	sld [smem:$0x3FC4]  }
0x95: {  	s8 =	sld [smem:$0x3FC3];
	(tm) =	ssettm $0x1  }
0x96: {  	s19 =	sld [smem:$0x3FFB];
	_ =	sdelay $0x3  }
0x97: {  	_ =	strace s19  }
0x98: {  	s2 =	sld [smem:$0x3FFC];
	_ =	sdelay $0x3  }
0x99: {  	_ =	strace s2  }
0x9a: {  	s2 =	sld [smem:$0x3FFD];
	_ =	sdelay $0x3  }
0x9b: {  	_ =	strace s2  }
0x9c: {  	_ =	strace $0x8FFFFFFF  }
0x9d: {  	s20 =	sld [smem:$0x3FDB];
	_ =	sdelay $0x1  }
0x9e: {  	s9 =	simm.s32 $_scs_section_size  }
0x9f: {  	s10 =	simm.s32 $_size__tile_overlayer_lowered;
	s11 =	simm.s32 $_tile_overlayer_lowered  }
0xa0: {  	s12 =	simm.s32 $0x1BFF;
	s21 =	sshll.u32 s11, $0x1;
	s9 =	sadd.s32 s9, s20  }
0xa1: {  	s22 =	simm.s32 $0x0;
	s10 =	sshll.u32 s10, $0x1;
	s11 =	sadd.s32 s21, s9  }
0xa2: {  	[timem:s22], [sflag:s12] =	dma.local [hbm:s11], s10  }
0xa3: {  	_ =	swait.ge [sflag:s12], s10  }
0xa4: {  	s10 =	ssub.s32 $0x0, s10;
	[sflag:s12] =	ssyncset.done $0x0  }
0xa5: {  	[sflag:s12] =	ssyncadd.s32 s10;
	_ =	sdelay $0x1  }
0xa6: {  	s23 =	simm.s32 $0x1B8B  }
0xa7: {  	_ =	swait.ge [sflag:s23], $0x1  }
0xa8: {  	[sflag:s23] =	ssyncset.done $0x0  }
0xa9: {  	[sflag:s23] =	ssyncadd.s32 $0xFFFFFFFF  }
0xaa: {  	s10 =	sld [smem:$0x0]  }
0xab: {  	s11 =	sand.u32 $0xFFFFFFFE, s1  }
0xac: {  	p0 =	sne.s32 s1, s11  }
0xad: {  	s11 =	sshll.u32 @p0 s11, $0xE  }
0xae: {  	s11 =	sadd.s32 @p0 $0x11B8D, s11;
	s12 =	sshll.u32 @p0 s10, $0x11  }
0xaf: {  	s11 =	sor.u32 @p0 s12, s11  }
0xb0: {  	[sflag:s11] =	ssyncadd.remote.s32 @p0 $0x1;
	_ =	sdelay $0x1  }
0xb1: {  	s11 =	simm.s32 @p0 $0x1B8D  }
0xb2: {  	_ =	swait.eq @p0 [sflag:s11], $0x1  }
0xb3: {  	[sflag:s11] =	ssyncadd.s32 @p0 $0xFFFFFFFF  }
0xb4: {  	s12 =	sshll.u32 @!p0 s1, $0xE  }
0xb5: {  	s12 =	sor.u32 @!p0 $0x4000, s12;
	s11 =	simm.s32 @!p0 $0x1B8D  }
0xb6: {  	s10 =	sshll.u32 @!p0 s10, $0x11;
	s12 =	sadd.s32 @!p0 $0x11B8D, s12;
	_ =	swait.eq @!p0 [sflag:s11], $0x1  }
0xb7: {  	s10 =	sor.u32 @!p0 s10, s12;
	[sflag:s11] =	ssyncadd.s32 @!p0 $0xFFFFFFFF  }
0xb8: {  	s25 =	simm.s32 $0x1B8E;
	s24 =	sld [smem:$0x3FFE];
	[sflag:s10] =	ssyncadd.remote.s32 @!p0 $0x1  }
0xb9: {  	s26 =	simm.s32 $execute0_lowered;
	[smem:$0x3FD2] =	sst s25  }
0xba: {  	s11 =	sshll.u32 s26, $0x1;
	_ =	strace $0x80000049;
	[dreg:$0x1] =	wrdreg $0xFFFFFFFF  }
0xbb: {  	s28 =	simm.s32 $_size_execute0_lowered;
	s9 =	sadd.s32 s9, s11;
	[dreg:$0x0] =	wrdreg $0x0  }
0xbc: {  	s11 =	sshll.u32 s28, $0x1;
	[dreg:$0x2] =	wrdreg s9  }
0xbd: {  	[dreg:$0x3] =	wrdreg s11  }
0xbe: {  	[dreg:$0x4] =	wrdreg $0xC0  }
0xbf: {  	_ =	task [dreg:s22], $0x5FFFF  }
0xc0: {  	[dreg:$0x1] =	wrdreg $0xFFFFFFFF  }
0xc1: {  	[dreg:$0x0] =	wrdreg $0x60  }
0xc2: {  	[dreg:$0x2] =	wrdreg s24  }
0xc3: {  	[dreg:$0x3] =	wrdreg s18  }
0xc4: {  	[dreg:$0x4] =	wrdreg s4  }
0xc5: {  	[dreg:$0x5] =	wrdreg s5  }
0xc6: {  	[dreg:$0x6] =	wrdreg s6  }
0xc7: {  	[dreg:$0x7] =	wrdreg s7  }
0xc8: {  	[dreg:$0x8] =	wrdreg s8  }
0xc9: {  	[dreg:$0x9] =	wrdreg $0x9  }
0xca: {  	_ =	task.clear_ibuf [dreg:s22], $0xAFFFF;
	_ =	strace $0x90000049  }
0xcb: {  	s29 =	simm.s32 $0x9;
	_ =	strace $0x8000004B  }
0xcc: {  	_ =	swait.ge [sflag:s29], $0x1  }
0xcd: {  	[sflag:s29] =	ssyncadd.s32 $0xFFFFFFFF  }
0xce: {  	_ =	strace $0x9000004B  }
0xcf: {  	_ =	sfence  }
0xd0: {  	s30 =	sld [smem:$0x0];
	_ =	sdelay $0x2  }
0xd1: {  	s31 =	sshll.u32 s1, $0xD;
	s1 =	sshrl.u32 s1, $0x2  }
0xd2: {  	s4 =	sand.u32 $0x4000, s31;
	s1 =	sadd.s32 s1, s30  }
0xd3: {  	s0 =	sor.u32 s4, s0;
	s1 =	sshll.u32 s1, $0x11  }
0xd4: {  	s0 =	sor.u32 s1, s0  }
0xd5: {  	s0 =	sadd.s32 $0x8F2B, s0  }
0xd6: {  	[sflag:s0] =	ssyncadd.remote.s32 $0x1  }
0xd7: {  	_ =	sfence.sel $0xFFFF  }
0xd8: {  	[dreg:$0x0] =	wrdreg $0xFFFFFFFF;
	(pc) =	sbr.abs _section_cstart, $3  }
0xd9: {  	[dreg:$0x1] =	wrdreg $0xFFFFFFFF  }
0xda: {  	_ =	task.clear_ibuf [dreg:s22], $0x2FFFF;
	_ =	strace $0x9FFFFFFF  }
0xdb: {  	(tm) =	ssettm $0x7FFFFFFF  }
tec
execute0_lowered:
.L_overlay_start_1:
0x0: {  	(tag) =	ssettag $0x1  }
0x1: {  	s0 =	rddreg [dreg:$0x0]  }
0x2: {  	s1 =	rddreg [dreg:$0x2]  }
0x3: {  	s2 =	rddreg [dreg:$0x3]  }
0x4: {  	s5 =	rddreg [dreg:$0x4]  }
0x5: {  	s6 =	rddreg [dreg:$0x5]  }
0x6: {  	s7 =	rddreg [dreg:$0x6]  }
0x7: {  	s3 =	simm.s32 $0x0;
	s4 =	srdreg.scid;
	s9 =	stileid.u32  }
0x8: {  	s29 =	simm.s32 $0x80;
	s30 =	simm.s32 $0x1000;
	s31 =	simm.s32 $0x2  }
0x9: {  	s28 =	simm.s32 $0x0;
	[smem:$0x7FF] =	sst s3;
	s8 =	sand.u32 $0x1, s4  }
0xa: {  	s4 =	sadd.s32 $0x18D400, s0;
	s9 =	sshll.u32 s9, $0xA;
	s16 =	sadd.s32 $0x7A00, s0  }
0xb: {  	s17 =	sadd.s32 $0x47A00, s0;
	s10 =	sshll.u32 s8, $0x9;
	s8 =	ssub.s32 $0x2, s8  }
0xc: {  	_ =	strace $0x8000004A;
	s9 =	sor.u32 s10, s9;
	s11 =	sshrl.u32 s8, $0x1  }
0xd: {  	s10 =	sshrl.u32 s9, $0x3;
	s8 =	ssub.s32 s8, s11;
	s23 =	sshll.u32 s9, $0x4  }
0xe: {  	s0 =	sadd.s32 s10, s0;
	s1 =	sadd.s32 s1, s10;
	s21 =	sadd.s32 s2, s10  }
0xf: {  	s22 =	sadd.s32 s5, s10;
	s24 =	sadd.s32 s6, s10;
	s9 =	sadd.s32 s7, s10  }
0x10: {  	s25 =	sor.u32 $0x800, s23;
	s10 =	sadd.s32 s16, s23;
	[dreg:$0x8] =	wrdreg s1  }
0x11: {  	s11 =	sadd.s32 s17, s23;
	s26 =	sor.u32 $0x1000, s23;
	[dreg:$0x9] =	wrdreg s21  }
0x12: {  	s20 =	smax.u32 s8, $0x1;
	s2 =	simm.s32 $0x9000;
	[dreg:$0xa] =	wrdreg s22  }
0x13: {  	[dreg:$0xb] =	wrdreg s24;
	s12 =	sadd.s32 s16, s25;
	s13 =	sadd.s32 s17, s25  }
0x14: {  	s1 =	sor.u32 $0x1800, s23;
	s14 =	sadd.s32 s16, s26;
	s15 =	sadd.s32 s17, s26  }
0x15: {  	s18 =	sadd.s32 $0x7200, s0;
	s19 =	sadd.s32 $0x6A00, s0;
	s21 =	simm.s32 $0x6  }
0x16: {  	s22 =	simm.s32 $0x200;
	s0 =	simm.s32 $0x5000;
	s23 =	simm.s32 $0xD000  }
0x17: {  	s24 =	simm.s32 $0x1;
	s25 =	simm.s32 $0x4;
	s26 =	simm.s32 $0x3  }
0x18: {  	v0 =	vimm.f32 $1.000000000e+00;
	v1 =	vimm.f32 $0.0e+00;
	s16 =	sadd.s32 s16, s1;
	s17 =	sadd.s32 s17, s1;
	s1 =	simm.s32 $0x5  }
.LBB2_1:
0x19: {  	s5 =	rddreg [dreg:$0x8]  }
0x1a: {  	[tilespmem:s3], [sflag:$0x6] =	stream.linear.gather [hbm4b:s5+s3], $0x200, $0x38;
	[tilespmem:$0x11600] =	vst v63  }
0x1b: {  	_ =	swait.ge [sflag:s21], $0x200  }
0x1c: {  	[sflag:s21] =	ssyncset.done $0x0  }
0x1d: {  	s7 =	rddreg [dreg:$0x9];
	[sflag:s21] =	ssyncadd.s32 $0xFFFFFE00  }
0x1e: {  	[tilespmem:s22], [sflag:$0x6] =	stream.linear.gather [hbm4b:s7+s3], $0x200, $0x38;
	[tilespmem:$0x11600] =	vst v63  }
0x1f: {  	_ =	swait.ge [sflag:s21], $0x200  }
0x20: {  	[sflag:s21] =	ssyncset.done $0x0  }
0x21: {  	s6 =	simm.s32 $0x400;
	s8 =	rddreg [dreg:$0xa];
	[sflag:s21] =	ssyncadd.s32 $0xFFFFFE00  }
0x22: {  	[tilespmem:s6], [sflag:$0x6] =	stream.linear.gather [hbm4b:s8+s3], $0x200, $0x38;
	[tilespmem:$0x11600] =	vst v63  }
0x23: {  	_ =	swait.ge [sflag:s21], $0x200  }
0x24: {  	[sflag:s21] =	ssyncset.done $0x0  }
0x25: {  	s7 =	simm.s32 $0x600;
	s6 =	rddreg [dreg:$0xb];
	[sflag:s21] =	ssyncadd.s32 $0xFFFFFE00  }
0x26: {  	[tilespmem:s7], [sflag:$0x6] =	stream.linear.gather [hbm4b:s6+s3], $0x200, $0x38;
	[tilespmem:$0x11600] =	vst v63  }
0x27: {  	_ =	swait.ge [sflag:s21], $0x200  }
0x28: {  	[sflag:s21] =	ssyncset.done $0x0  }
0x29: {  	s8 =	simm.s32 $0x800;
	[sflag:s21] =	ssyncadd.s32 $0xFFFFFE00  }
0x2a: {  	[tilespmem:s8], [sflag:$0x6] =	stream.linear.gather [hbm4b:s9+s3], $0x200, $0x38;
	[tilespmem:$0x11600] =	vst v63  }
0x2b: {  	_ =	swait.ge [sflag:s21], $0x200  }
0x2c: {  	[sflag:s21] =	ssyncset.done $0x0  }
0x2d: {  	s6 =	simm.s32 $0x0;
	[sflag:s21] =	ssyncadd.s32 $0xFFFFFE00  }
0x2e: {  	v3 =	vld [tilespmem:s6+$0x0]  }
0x2f: {  	v4 =	vld [tilespmem:s6+$0x600]  }
0x30: {  	v5 =	vld [tilespmem:s6+$0x800]  }
0x31: {  	v6 =	vld [tilespmem:s6+$0x400]  }
0x32: {  	v7 =	vld [tilespmem:s6+$0x200]  }
0x33: {  	vm0 =	vgt.s32 v3, $0xC34F;
	v2 =	vadd.s32 $0xFFFF3CB0, v3  }
0x34: {  	v2 =	vsel vm0, v2, v3  }
0x35: {  	s5 =	simm.s32 $0x10;
	vm1 =	vlt.s32 v5, v4;
	[tilespmem:s6+$0x0] =	vst v2  }
0x36: {  	v8 =	vsel vm1, v3, v6;
	v5 =	vsel vm1, v4, v5;
	v2 =	vld [tilespmem:s5+$0x0]  }
0x37: {  	v7 =	vsel vm1, v7, v6;
	v6 =	vsel vm1, $0x0, v0;
	v3 =	vld [tilespmem:s5+$0x600];
	[tilespmem:s6+$0xC00] =	vst v8;
	v8 =	vsel vm0, $0x40000000, v1  }
0x38: {  	vm15 =	vgt.s32 v7, $0xC34F;
	v9 =	vadd.s32 $0xFFFF3CB0, v7;
	v4 =	vld [tilespmem:s5+$0x800];
	[tilespmem:s6+$0xE00] =	vst v5;
	v6 =	vadd.f32 v8, v6  }
0x39: {  	s7 =	simm.s32 $0x80;
	s8 =	simm.s32 $0xC0;
	v7 =	vsel vm15, v9, v7;
	v8 =	vsel vm15, $0x40800000, v1;
	v5 =	vld [tilespmem:s5+$0x400]  }
.LBB2_2:
0x3a: {  	p0 =	sne.s32 s8, $0x7C0;
	v9 =	vld [tilespmem:s5+$0x200];
	[tilespmem:s6+$0xA00] =	vst v7;
	v6 =	vadd.f32 v8, v6  }
0x3b: {  	vm0 =	vgt.s32 v2, $0xC34F;
	v7 =	vadd.s32 $0xFFFF3CB0, v2  }
0x3c: {  	v7 =	vsel vm0, v7, v2;
	v8 =	vsel vm0, $0x40000000, v1;
	[tilespmem:s6+$0x11400] =	vst v6;
	s6 =	smov.u32 s5  }
.Ltmp0:
0x3d: {  	s5 =	sshra.s32 s7, $0x2;
	s7 =	smov.u32 s8;
	vm0 =	vlt.s32 v4, v3;
	[tilespmem:s6+$0x0] =	vst v7;
	(pc) =	sbr.rel @p0 .LBB2_2-.Ltmp0, $4  }
0x3e: {  	v6 =	vsel vm0, v2, v5;
	v2 =	vld [tilespmem:s5+$0x0];
	v7 =	vsel vm0, v3, v4;
	v4 =	vsel vm0, $0x0, v0  }
0x3f: {  	v3 =	vld [tilespmem:s5+$0x600];
	v9 =	vsel vm0, v9, v5;
	[tilespmem:s6+$0xC00] =	vst v6;
	v6 =	vadd.f32 v8, v4  }
0x40: {  	v4 =	vld [tilespmem:s5+$0x800];
	[tilespmem:s6+$0xE00] =	vst v7;
	vm0 =	vgt.s32 v9, $0xC34F;
	v7 =	vadd.s32 $0xFFFF3CB0, v9  }
0x41: {  	s8 =	sadd.s32 $0x40, s8;
	v5 =	vld [tilespmem:s5+$0x400];
	v7 =	vsel vm0, v7, v9;
	v8 =	vsel vm0, $0x40800000, v1  }
0x42: {  	v6 =	vadd.f32 v8, v6  }
0x43: {  	v9 =	vld [tilespmem:s5+$0x200];
	[tilespmem:s6+$0xA00] =	vst v7;
	vm0 =	vgt.s32 v2, $0xC34F;
	v55 =	vadd.s32 $0xFFFF3CB0, v2  }
0x44: {  	[tilespmem:s6+$0x11400] =	vst v6;
	v56 =	vsel vm0, v55, v2  }
0x45: {  	s8 =	sshra.s32 s7, $0x2;
	[tilespmem:s5+$0x0] =	vst v56;
	vm1 =	vlt.s32 v4, v3  }
0x46: {  	v6 =	vld [tilespmem:s8+$0x0];
	v2 =	vsel vm1, v2, v5  }
0x47: {  	v57 =	vld [tilespmem:s8+$0x600];
	[tilespmem:s5+$0xC00] =	vst v2;
	v2 =	vsel vm1, v3, v4  }
0x48: {  	v3 =	vld [tilespmem:s8+$0x800];
	[tilespmem:s5+$0xE00] =	vst v2  }
0x49: {  	v2 =	vld [tilespmem:s8+$0x400]  }
0x4a: {  	v58 =	vsel vm1, $0x0, v0;
	v4 =	vsel vm0, $0x40000000, v1;
	v5 =	vsel vm1, v9, v5;
	v59 =	vld [tilespmem:s8+$0x200]  }
0x4b: {  	v4 =	vadd.f32 v4, v58;
	vm12 =	vgt.s32 v5, $0xC34F;
	v60 =	vadd.s32 $0xFFFF3CB0, v5  }
0x4c: {  	v5 =	vsel vm12, v60, v5;
	v61 =	vsel vm12, $0x40800000, v1  }
0x4d: {  	v4 =	vadd.f32 v61, v4;
	vm13 =	vgt.s32 v6, $0xC34F;
	v62 =	vadd.s32 $0xFFFF3CB0, v6  }
0x4e: {  	[tilespmem:s5+$0xA00] =	vst v5;
	v5 =	vsel vm13, v62, v6;
	vm14 =	vlt.s32 v3, v57  }
0x4f: {  	v63 =	vsel vm13, $0x40000000, v1;
	[tilespmem:s5+$0x11400] =	vst v4;
	v4 =	vsel vm14, $0x0, v0;
	v9 =	vsel vm14, v59, v2  }
0x50: {  	[tilespmem:s8+$0x0] =	vst v5;
	v2 =	vsel vm14, v6, v2;
	v4 =	vadd.f32 v63, v4;
	vm15 =	vgt.s32 v9, $0xC34F  }
0x51: {  	v3 =	vsel vm14, v57, v3;
	[tilespmem:s8+$0xC00] =	vst v2;
	v2 =	vadd.s32 $0xFFFF3CB0, v9;
	v5 =	vsel vm15, $0x40800000, v1  }
0x52: {  	[tilespmem:s8+$0xE00] =	vst v3;
	v2 =	vsel vm15, v2, v9;
	v3 =	vadd.f32 v5, v4  }
0x53: {  	[tilespmem:s8+$0xA00] =	vst v2  }
0x54: {  	s7 =	simm.s32 $0xC00;
	s6 =	rddreg [dreg:$0x1];
	[tilespmem:s8+$0x11400] =	vst v3;
	s8 =	simm.s32 $0x11000  }
0x55: {  	[tilespmem:s8], [sflag:$0x3] =	stream.indirect.gather [hbm4b:s6+s22], $0x1, s7, s22, $0xb8;
	[tilespmem:$0x11600] =	vst v63  }
0x56: {  	s5 =	simm.s32 $0x0  }
0x57: {  	[tilespmem:s30], [sflag:$0x1] =	stream.indirect.gather [hbm4b:s4+s29], $0x80, s5, s29, $0xb8;
	[tilespmem:$0x11600] =	vst v63  }
0x58: {  	s7 =	simm.s32 $0xA00  }
0x59: {  	[tilespmem:s0], [sflag:$0x1] =	stream.indirect.gather [hbm4b:s4+s29], $0x80, s7, s29, $0xb8;
	[tilespmem:$0x11600] =	vst v63  }
0x5a: {  	_ = 	snop  }
0x5b: {  	[tilespmem:s2], [sflag:$0x2] =	stream.indirect.gather [hbm4b:s4+s29], $0x80, s29, s29, $0xb8;
	[tilespmem:$0x11600] =	vst v63  }
0x5c: {  	s8 =	simm.s32 $0xA80  }
0x5d: {  	[tilespmem:s23], [sflag:$0x2] =	stream.indirect.gather [hbm4b:s4+s29], $0x80, s8, s29, $0xb8;
	[tilespmem:$0x11600] =	vst v63  }
0x5e: {  	_ =	swait.ge [sflag:s24], $0x4000  }
0x5f: {  	[sflag:s24] =	ssyncset.done $0x0  }
0x60: {  	[sflag:s24] =	ssyncadd.s32 $0xFFFFC000  }
0x61: {  	_ =	swait.ge [sflag:s24], $0x4000  }
0x62: {  	[sflag:s24] =	ssyncset.done $0x0  }
0x63: {  	[sflag:s24] =	ssyncadd.s32 $0xFFFFC000  }
0x64: {  	[hbm4b:s10+s5] =	stream.linear.scatter [tilespmem:s30], [sflag:$0x4], $0x4000, $0x38;
	[tilespmem:$0x11600] =	vst v63  }
0x65: {  	_ = 	snop  }
0x66: {  	[hbm4b:s11+s5] =	stream.linear.scatter [tilespmem:s0], [sflag:$0x4], $0x4000, $0x38;
	[tilespmem:$0x11600] =	vst v63  }
0x67: {  	_ =	swait.ge [sflag:s25], $0x4000  }
0x68: {  	[sflag:s25] =	ssyncset.done $0x0  }
0x69: {  	[sflag:s25] =	ssyncadd.s32 $0xFFFFC000  }
0x6a: {  	_ =	swait.ge [sflag:s25], $0x4000  }
0x6b: {  	[sflag:s25] =	ssyncset.done $0x0  }
0x6c: {  	s7 =	simm.s32 $0x100;
	[sflag:s25] =	ssyncadd.s32 $0xFFFFC000  }
0x6d: {  	[tilespmem:s30], [sflag:$0x1] =	stream.indirect.gather [hbm4b:s4+s29], $0x80, s7, s29, $0xb8;
	[tilespmem:$0x11600] =	vst v63  }
0x6e: {  	s8 =	simm.s32 $0xB00  }
0x6f: {  	[tilespmem:s0], [sflag:$0x1] =	stream.indirect.gather [hbm4b:s4+s29], $0x80, s8, s29, $0xb8;
	[tilespmem:$0x11600] =	vst v63  }
0x70: {  	_ =	swait.ge [sflag:s31], $0x4000  }
0x71: {  	[sflag:s31] =	ssyncset.done $0x0  }
0x72: {  	[sflag:s31] =	ssyncadd.s32 $0xFFFFC000  }
0x73: {  	_ =	swait.ge [sflag:s31], $0x4000  }
0x74: {  	[sflag:s31] =	ssyncset.done $0x0  }
0x75: {  	[sflag:s31] =	ssyncadd.s32 $0xFFFFC000  }
0x76: {  	[hbm4b:s12+s5] =	stream.linear.scatter [tilespmem:s2], [sflag:$0x5], $0x4000, $0x38;
	[tilespmem:$0x11600] =	vst v63  }
0x77: {  	_ = 	snop  }
0x78: {  	[hbm4b:s13+s5] =	stream.linear.scatter [tilespmem:s23], [sflag:$0x5], $0x4000, $0x38;
	[tilespmem:$0x11600] =	vst v63  }
0x79: {  	_ =	swait.ge [sflag:s1], $0x4000  }
0x7a: {  	[sflag:s1] =	ssyncset.done $0x0  }
0x7b: {  	[sflag:s1] =	ssyncadd.s32 $0xFFFFC000  }
0x7c: {  	_ =	swait.ge [sflag:s1], $0x4000  }
0x7d: {  	[sflag:s1] =	ssyncset.done $0x0  }
0x7e: {  	s7 =	simm.s32 $0x180;
	[sflag:s1] =	ssyncadd.s32 $0xFFFFC000  }
0x7f: {  	[tilespmem:s2], [sflag:$0x2] =	stream.indirect.gather [hbm4b:s4+s29], $0x80, s7, s29, $0xb8;
	[tilespmem:$0x11600] =	vst v63  }
0x80: {  	s8 =	simm.s32 $0xB80  }
0x81: {  	[tilespmem:s23], [sflag:$0x2] =	stream.indirect.gather [hbm4b:s4+s29], $0x80, s8, s29, $0xb8;
	[tilespmem:$0x11600] =	vst v63  }
0x82: {  	_ =	swait.ge [sflag:s24], $0x4000  }
0x83: {  	[sflag:s24] =	ssyncset.done $0x0  }
0x84: {  	[sflag:s24] =	ssyncadd.s32 $0xFFFFC000  }
0x85: {  	_ =	swait.ge [sflag:s24], $0x4000  }
0x86: {  	[sflag:s24] =	ssyncset.done $0x0  }
0x87: {  	[sflag:s24] =	ssyncadd.s32 $0xFFFFC000  }
0x88: {  	[hbm4b:s14+s5] =	stream.linear.scatter [tilespmem:s30], [sflag:$0x4], $0x4000, $0x38;
	[tilespmem:$0x11600] =	vst v63  }
0x89: {  	_ = 	snop  }
0x8a: {  	[hbm4b:s15+s5] =	stream.linear.scatter [tilespmem:s0], [sflag:$0x4], $0x4000, $0x38;
	[tilespmem:$0x11600] =	vst v63  }
0x8b: {  	_ =	swait.ge [sflag:s31], $0x4000  }
0x8c: {  	[sflag:s31] =	ssyncset.done $0x0  }
0x8d: {  	[sflag:s31] =	ssyncadd.s32 $0xFFFFC000  }
0x8e: {  	_ =	swait.ge [sflag:s31], $0x4000  }
0x8f: {  	[sflag:s31] =	ssyncset.done $0x0  }
0x90: {  	[sflag:s31] =	ssyncadd.s32 $0xFFFFC000  }
0x91: {  	[hbm4b:s16+s5] =	stream.linear.scatter [tilespmem:s2], [sflag:$0x5], $0x4000, $0x38;
	[tilespmem:$0x11600] =	vst v63  }
0x92: {  	_ = 	snop  }
0x93: {  	[hbm4b:s17+s5] =	stream.linear.scatter [tilespmem:s23], [sflag:$0x5], $0x4000, $0x38;
	[tilespmem:$0x11600] =	vst v63  }
0x94: {  	_ =	swait.ge [sflag:s25], $0x4000  }
0x95: {  	[sflag:s25] =	ssyncset.done $0x0  }
0x96: {  	[sflag:s25] =	ssyncadd.s32 $0xFFFFC000  }
0x97: {  	_ =	swait.ge [sflag:s25], $0x4000  }
0x98: {  	[sflag:s25] =	ssyncset.done $0x0  }
0x99: {  	[sflag:s25] =	ssyncadd.s32 $0xFFFFC000  }
0x9a: {  	_ =	swait.ge [sflag:s1], $0x4000  }
0x9b: {  	[sflag:s1] =	ssyncset.done $0x0  }
0x9c: {  	[sflag:s1] =	ssyncadd.s32 $0xFFFFC000  }
0x9d: {  	_ =	swait.ge [sflag:s1], $0x4000  }
0x9e: {  	[sflag:s1] =	ssyncset.done $0x0  }
0x9f: {  	[sflag:s1] =	ssyncadd.s32 $0xFFFFC000  }
0xa0: {  	_ =	swait.ge [sflag:s26], $0x200  }
0xa1: {  	[sflag:s26] =	ssyncset.done $0x0  }
0xa2: {  	s5 =	simm.s32 $0x0;
	[sflag:s26] =	ssyncadd.s32 $0xFFFFFE00  }
0xa3: {  	v2 =	vld [tilespmem:s5+$0xE00]  }
0xa4: {  	v3 =	vld [tilespmem:s5+$0x11000];
	_ =	sdelay $0x1  }
0xa5: {  	s6 =	simm.s32 $0x40  }
.LBB2_4:
0xa6: {  	p0 =	sne.s32 s6, $0x7C0  }
.Ltmp1:
0xa7: {  	s7 =	sshra.s32 s6, $0x2;
	(pc) =	sbr.rel @p0 .LBB2_4-.Ltmp1, $3  }
0xa8: {  	s6 =	sadd.s32 $0x40, s6;
	v4 =	vsub.s32 v2, v3;
	v2 =	vld [tilespmem:s7+$0xE00]  }
0xa9: {  	v3 =	vld [tilespmem:s7+$0x11000];
	v4 =	vcvt.s32.f32 v4;
	_ =	sdelay $0x1  }
0xaa: {  	[tilespmem:s5+$0x11200] =	vst v4;
	s5 =	smov.u32 s7  }
0xab: {  	_ =	sdelay $0x1  }
0xac: {  	v2 =	vsub.s32 v2, v3  }
0xad: {  	v2 =	vcvt.s32.f32 v2;
	_ =	sdelay $0x1  }
0xae: {  	s7 =	simm.s32 $0x11200;
	[tilespmem:s5+$0x11200] =	vst v2  }
0xaf: {  	[hbm4b:s18+s3] =	stream.linear.scatter [tilespmem:s7], [sflag:$0x6], $0x200, $0x38;
	[tilespmem:$0x11600] =	vst v63  }
0xb0: {  	s28 =	sadd.s32 $0x1, s28;
	_ =	swait.ge [sflag:s21], $0x200  }
0xb1: {  	p0 =	sne.s32 s28, s20;
	[sflag:s21] =	ssyncset.done $0x0  }
.Ltmp2:
0xb2: {  	s8 =	simm.s32 $0x11400;
	[sflag:s21] =	ssyncadd.s32 $0xFFFFFE00;
	(pc) =	sbr.rel @p0 .LBB2_1-.Ltmp2, $4  }
0xb3: {  	[hbm4b:s19+s3] =	stream.linear.scatter [tilespmem:s8], [sflag:$0x6], $0x200, $0x38;
	[tilespmem:$0x11600] =	vst v63  }
0xb4: {  	_ =	swait.ge [sflag:s21], $0x200  }
0xb5: {  	[sflag:s21] =	ssyncset.done $0x0  }
0xb6: {  	[sflag:s21] =	ssyncadd.s32 $0xFFFFFE00  }
0xb7: {  	_ =	sfence.sel $0x180000  }
0xb8: {  	[bflag:$0x0] =	sbarrier.arrive $0xFFFF  }
0xb9: {  	_ =	strace $0x9000004A  }
0xba: {  	s0 =	stileid.u32;
	[bflag:$0x2] =	sbarrier.arrive $0xFFFF  }
0xbb: {  	p0 =	sne.s32 s0, $0x0;
	s0 =	rddreg [dreg:$0x7]  }
0xbc: {  	s0 =	sadd.s32 @!p0 $0x100000, s0  }
0xbd: {  	[sflag:s0] =	ssyncadd.tile.s32 @!p0 $0x1;
	_ =	shalt  }
.Lfunc_end2:
_tile_overlayer_lowered:
.L_overlay_start_2:
0xbe: {  	(tag) =	ssettag $0x2  }
0xbf: {  	s0 =	rddreg [dreg:$0x0];
	s2 =	stileid.u32  }
0xc0: {  	s1 =	rddreg [dreg:$0x1];
	p0 =	sne.s32 s2, $0x0  }
0xc1: {  	s3 =	rddreg [dreg:$0x2];
	[bflag:$0x3] =	sbarrier.arrive $0xFFFF;
	s2 =	simm.s32 @!p0 $0x1C06  }
0xc2: {  	[timem:s3], [sflag:s2] =	dma.local @!p0 [hbm:s0], s1  }
0xc3: {  	s0 =	simm.s32 @!p0 $0x6  }
0xc4: {  	_ =	swait.ge @!p0 [sflag:s0], s1  }
0xc5: {  	s1 =	ssub.s32 @!p0 $0x0, s1;
	[sflag:s0] =	ssyncset.done @!p0 $0x0  }
0xc6: {  	[sflag:s0] =	ssyncadd.s32 @!p0 s1  }
0xc7: {  	[bflag:$0x3] =	sbarrier.arrive $0xFFFF  }
0xc8: {  	_ =	shalt  }

// kernel: kernel.7.cloned.1.call-start
scs
__scs_entry_jumppad:
0x0: {  	(pc) =	sbr.rel $0x88, $3  }
0x1: {  	(tag) =	ssettag $0x0;
	lr =	simm.s32 $0x1  }
0x2: {  	[smem:$0x3F92] =	sst lr;
	_ =	strace $0xD0000000  }
0x3: {  	_ = 	snop  }
0x4: {  	_ = 	snop  }
0x5: {  	_ = 	snop  }
0x6: {  	_ = 	snop  }
0x7: {  	_ = 	snop  }
__scs_overlays_trampoline_lowered:
0x8: {  	[smem:$0x3FA1] =	sst s0  }
0x9: {  	[smem:$0x3FA2] =	sst s1  }
0xa: {  	[smem:$0x3FA3] =	sst s2  }
0xb: {  	[smem:$0x3FA4] =	sst s3  }
0xc: {  	[smem:$0x3FA5] =	sst s4  }
0xd: {  	[smem:$0x3FA6] =	sst s5  }
0xe: {  	[smem:$0x3FA7] =	sst s6  }
0xf: {  	[smem:$0x3FA8] =	sst s7  }
0x10: {  	[smem:$0x3FA9] =	sst s8  }
0x11: {  	[smem:$0x3FAA] =	sst s9;
	s0 =	simm.s32 @!p0 $0x0  }
0x12: {  	s1 =	sld [smem:$0x3F90];
	s0 =	simm.s32 @p0 $0x1  }
0x13: {  	[smem:$0x3FAB] =	sst s0;
	s0 =	simm.s32 @!p1 $0x0  }
0x14: {  	s2 =	sld [smem:$0x3F8F];
	s0 =	simm.s32 @p1 $0x1  }
0x15: {  	[smem:$0x3FAC] =	sst s0;
	s0 =	simm.s32 @!p2 $0x0  }
0x16: {  	s3 =	sld [smem:$0x3FDB];
	s0 =	simm.s32 @p2 $0x1  }
0x17: {  	s4 =	simm.s32 $0x1BF5;
	[smem:$0x3FAE] =	sst s0  }
0x18: {  	s0 =	sld [smem:$0x3F91];
	_ =	swait.ge [sflag:s4], $0x0  }
0x19: {  	s7 =	sld [smem:$0x3F92]  }
0x1a: {  	s8 =	sadd.s32 $0xFFFFE003, lr  }
0x1b: {  	s9 =	sadd.s32 $0xFFFFFEF7, lr;
	s5 =	simm.s32 $0xFFFFFFFF;
	p2 =	slt.u32 s8, $0xFFFFF086  }
0x1c: {  	p1 =	slt.u32 s9, $0xF7A;
	s5 =	simm.s32 @!p2 $0x0  }
0x1d: {  	s5 =	simm.s32 @p1 $0x1;
	p0 =	seq.s32 s7, s2  }
0x1e: {  	s7 =	smul.u32 @!p0 $0xF7A, s2;
	p2 =	seq.s32 @!p0 s5, $0x0  }
0x1f: {  	s9 =	smul.u32 $0xF7A, s1;
	s8 =	simm.s32 @!p0 $0x1BF5;
	p2 =	por !p2, p0  }
0x20: {  	[sflag:s8] =	ssyncset.s32 @!p0 $0xFFFFF086;
	s6 =	sadd.s32 @!p0 s3, s7;
	s7 =	simm.s32 @!p0 $0x108  }
0x21: {  	s3 =	sadd.s32 s3, s9;
	s6 =	sadd.s32 @!p0 $0x88, s6;
	s7 =	simm.s32 @p2 $0x1082  }
0x22: {  	[simem:s7], [sflag:s8] =	dma.local @!p0 [hbm:s6], $0xF7A  }
0x23: {  	s9 =	sor.u32 $0xD0000000, s2;
	s6 =	simm.s32 $0x108;
	_ =	swait.ge @!p0 [sflag:s8], $0x0  }
0x24: {  	s3 =	sadd.s32 $0x88, s3;
	s6 =	simm.s32 @!p1 $0x1082;
	[sflag:s4] =	ssyncset.s32 $0xFFFFF086  }
0x25: {  	[simem:s6], [sflag:s4] =	dma.local [hbm:s3], $0xF7A  }
0x26: {  	[smem:$0x3F92] =	sst s1;
	(tag) =	ssettag s2;
	_ =	strace s9  }
0x27: {  	s1 =	sld [smem:$0x3FA2]  }
0x28: {  	s2 =	sld [smem:$0x3FA3]  }
0x29: {  	s4 =	sld [smem:$0x3FA5]  }
0x2a: {  	p0 =	seq.s32 s5, $0x0;
	s5 =	sld [smem:$0x3FA6]  }
0x2b: {  	s6 =	sld [smem:$0x3FA7]  }
0x2c: {  	s7 =	sld [smem:$0x3FA8]  }
0x2d: {  	s3 =	simm.s32 $0x108;
	s8 =	sld [smem:$0x3FA9]  }
0x2e: {  	s3 =	simm.s32 @!p0 $0x1082;
	s9 =	sld [smem:$0x3FAA]  }
0x2f: {  	lr =	sadd.s32 s0, s3;
	s0 =	sld [smem:$0x3FA1]  }
0x30: {  	s3 =	sld [smem:$0x3FA4]  }
0x31: {  	[smem:$0x3FAD] =	sst s10  }
0x32: {  	s10 =	sld [smem:$0x3FAB];
	_ =	sdelay $0x3  }
0x33: {  	p0 =	seq.s32 s10, $0x1;
	s10 =	sld [smem:$0x3FAD];
	_ =	sdelay $0x3  }
0x34: {  	[smem:$0x3FAD] =	sst s10  }
0x35: {  	s10 =	sld [smem:$0x3FAC];
	_ =	sdelay $0x3  }
0x36: {  	p1 =	seq.s32 s10, $0x1;
	s10 =	sld [smem:$0x3FAD];
	_ =	sdelay $0x3  }
0x37: {  	[smem:$0x3FAD] =	sst s10  }
0x38: {  	s10 =	sld [smem:$0x3FAE]  }
0x39: {  	_ = 	snop;
	(pc) =	sbr.ind lr, $3  }
0x3a: {  	_ = 	snop  }
0x3b: {  	_ = 	snop  }
0x3c: {  	p2 =	seq.s32 s10, $0x1;
	s10 =	sld [smem:$0x3FAD]  }
0x3d: {  	_ =	shalt  }
0x3e: {  	_ =	shalt  }
0x3f: {  	_ =	shalt  }
0x40: {  	_ =	shalt  }
0x41: {  	_ =	shalt  }
0x42: {  	_ =	shalt  }
0x43: {  	_ =	shalt  }
0x44: {  	_ =	shalt  }
0x45: {  	_ =	shalt  }
0x46: {  	_ =	shalt  }
0x47: {  	_ =	shalt  }
0x48: {  	_ =	shalt  }
0x49: {  	_ =	shalt  }
0x4a: {  	_ =	shalt  }
0x4b: {  	_ =	shalt  }
0x4c: {  	_ =	shalt  }
0x4d: {  	_ =	shalt  }
0x4e: {  	_ =	shalt  }
0x4f: {  	_ =	shalt  }
0x50: {  	_ =	shalt  }
0x51: {  	_ =	shalt  }
0x52: {  	_ =	shalt  }
0x53: {  	_ =	shalt  }
0x54: {  	_ =	shalt  }
0x55: {  	_ =	shalt  }
0x56: {  	_ =	shalt  }
0x57: {  	_ =	shalt  }
0x58: {  	_ =	shalt  }
0x59: {  	_ =	shalt  }
0x5a: {  	_ =	shalt  }
0x5b: {  	_ =	shalt  }
0x5c: {  	_ =	shalt  }
0x5d: {  	_ =	shalt  }
0x5e: {  	_ =	shalt  }
0x5f: {  	_ =	shalt  }
0x60: {  	_ =	shalt  }
0x61: {  	_ =	shalt  }
0x62: {  	_ =	shalt  }
0x63: {  	_ =	shalt  }
0x64: {  	_ =	shalt  }
0x65: {  	_ =	shalt  }
0x66: {  	_ =	shalt  }
0x67: {  	_ =	shalt  }
0x68: {  	_ =	shalt  }
0x69: {  	_ =	shalt  }
0x6a: {  	_ =	shalt  }
0x6b: {  	_ =	shalt  }
0x6c: {  	_ =	shalt  }
0x6d: {  	_ =	shalt  }
0x6e: {  	_ =	shalt  }
0x6f: {  	_ =	shalt  }
0x70: {  	_ =	shalt  }
0x71: {  	_ =	shalt  }
0x72: {  	_ =	shalt  }
0x73: {  	_ =	shalt  }
0x74: {  	_ =	shalt  }
0x75: {  	_ =	shalt  }
0x76: {  	_ =	shalt  }
0x77: {  	_ =	shalt  }
0x78: {  	_ =	shalt  }
0x79: {  	_ =	shalt  }
0x7a: {  	_ =	shalt  }
0x7b: {  	_ =	shalt  }
0x7c: {  	_ =	shalt  }
0x7d: {  	_ =	shalt  }
0x7e: {  	_ =	shalt  }
0x7f: {  	_ =	shalt  }
0x80: {  	_ =	shalt  }
0x81: {  	_ =	shalt  }
0x82: {  	_ =	shalt  }
0x83: {  	_ =	shalt  }
0x84: {  	_ =	shalt  }
0x85: {  	_ =	shalt  }
0x86: {  	_ =	shalt  }
0x87: {  	_ =	shalt  }
.Lfunc_end0:
.L_simem_size_0:
called_computation_lowered:
.L_overlay_start_0:
0x88: {  	s2 =	sld [smem:$0x3FD9]  }
0x89: {  	s3 =	sld [smem:$0x3FFE];
	_ =	sdelay $0x1  }
0x8a: {  	s1 =	srdreg.scid  }
0x8b: {  	s0 =	sand.u32 $0x1, s1  }
0x8c: {  	s14 =	sshll.u32 s0, $0xA;
	s2 =	sadd.s32 s3, s2  }
0x8d: {  	s2 =	sadd.s32 s2, s14  }
0x8e: {  	[smem:$0x3FB9] =	sst s2  }
0x8f: {  	_ = 	snop  }
0x90: {  	s2 =	sld [smem:$0x3FD0]  }
0x91: {  	s15 =	sld [smem:$0x3FC7]  }
0x92: {  	s4 =	sld [smem:$0x3FC4]  }
0x93: {  	s6 =	simm.s32 $0xB;
	s7 =	simm.s32 $0x10;
	s5 =	sld [smem:$0x3FC3]  }
0x94: {  	[smem:s7], [sflag:s6] =	dma.local [hbm:s2], $0x1  }
0x95: {  	_ =	swait.eq [sflag:s6], $0x1  }
0x96: {  	[sflag:s6] =	ssyncset.done $0x0  }
0x97: {  	[sflag:s6] =	ssyncadd.s32 $0xFFFFFFFF  }
0x98: {  	s16 =	sld [smem:$0x10];
	(tm) =	ssettm $0x1  }
0x99: {  	s17 =	sld [smem:$0x3FFB];
	_ =	sdelay $0x3  }
0x9a: {  	_ =	strace s17  }
0x9b: {  	s6 =	sld [smem:$0x3FFC];
	_ =	sdelay $0x3  }
0x9c: {  	_ =	strace s6  }
0x9d: {  	s6 =	sld [smem:$0x3FFD];
	_ =	sdelay $0x3  }
0x9e: {  	_ =	strace s6  }
0x9f: {  	_ =	strace $0x8FFFFFFF  }
0xa0: {  	s18 =	sld [smem:$0x3FDB];
	_ =	sdelay $0x1  }
0xa1: {  	s19 =	simm.s32 $_scs_section_size  }
0xa2: {  	s8 =	simm.s32 $_size__tile_overlayer_lowered;
	s9 =	simm.s32 $_tile_overlayer_lowered  }
0xa3: {  	s22 =	simm.s32 $0x1BFF;
	s21 =	sshll.u32 s9, $0x1;
	s6 =	sadd.s32 s19, s18  }
0xa4: {  	s10 =	simm.s32 $0x0;
	s20 =	sshll.u32 s8, $0x1;
	s8 =	sadd.s32 s21, s6  }
0xa5: {  	[timem:s10], [sflag:s22] =	dma.local [hbm:s8], s20  }
0xa6: {  	_ =	swait.ge [sflag:s22], s20  }
0xa7: {  	s7 =	ssub.s32 $0x0, s20;
	[sflag:s22] =	ssyncset.done $0x0  }
0xa8: {  	[sflag:s22] =	ssyncadd.s32 s7;
	_ =	sdelay $0x1  }
0xa9: {  	s23 =	simm.s32 $0x1B8B  }
0xaa: {  	_ =	swait.ge [sflag:s23], $0x1  }
0xab: {  	[sflag:s23] =	ssyncset.done $0x0  }
0xac: {  	s25 =	simm.s32 $0x1B8E;
	s24 =	sld [smem:$0x3FFE];
	[sflag:s23] =	ssyncadd.s32 $0xFFFFFFFF  }
0xad: {  	s26 =	simm.s32 $execute0_lowered;
	[smem:$0x3FD2] =	sst s25  }
0xae: {  	s8 =	sshll.u32 s26, $0x1;
	_ =	strace $0x80000046;
	[dreg:$0x1] =	wrdreg $0xFFFFFFFF  }
0xaf: {  	s28 =	simm.s32 $_size_execute0_lowered;
	s6 =	sadd.s32 s6, s8;
	[dreg:$0x0] =	wrdreg $0x0  }
0xb0: {  	s8 =	sshll.u32 s28, $0x1;
	[dreg:$0x2] =	wrdreg s6  }
0xb1: {  	[dreg:$0x3] =	wrdreg s8  }
0xb2: {  	[dreg:$0x4] =	wrdreg $0xC0  }
0xb3: {  	_ =	task [dreg:s10], $0x5FFFF  }
0xb4: {  	[dreg:$0x1] =	wrdreg $0xFFFFFFFF  }
0xb5: {  	[dreg:$0x0] =	wrdreg $0x60  }
0xb6: {  	[dreg:$0x2] =	wrdreg s16  }
0xb7: {  	[dreg:$0x3] =	wrdreg s15  }
0xb8: {  	[dreg:$0x4] =	wrdreg s4  }
0xb9: {  	[dreg:$0x5] =	wrdreg s5  }
0xba: {  	[dreg:$0x6] =	wrdreg s24  }
0xbb: {  	[dreg:$0x7] =	wrdreg $0xA  }
0xbc: {  	_ =	task.clear_ibuf [dreg:s10], $0x8FFFF;
	_ =	strace $0x90000046  }
0xbd: {  	s29 =	simm.s32 $0xA;
	_ =	strace $0x80000048  }
0xbe: {  	_ =	swait.ge [sflag:s29], $0x1  }
0xbf: {  	[sflag:s29] =	ssyncadd.s32 $0xFFFFFFFF  }
0xc0: {  	_ =	strace $0x90000048  }
0xc1: {  	_ =	sfence  }
0xc2: {  	s30 =	sld [smem:$0x0];
	_ =	sdelay $0x2  }
0xc3: {  	s31 =	sshll.u32 s1, $0xD;
	s1 =	sshrl.u32 s1, $0x2  }
0xc4: {  	s3 =	sand.u32 $0x4000, s31;
	s1 =	sadd.s32 s1, s30  }
0xc5: {  	s0 =	sor.u32 s3, s0;
	s1 =	sshll.u32 s1, $0x11  }
0xc6: {  	s0 =	sor.u32 s1, s0  }
0xc7: {  	s0 =	sadd.s32 $0x8F2B, s0  }
0xc8: {  	[sflag:s0] =	ssyncadd.remote.s32 $0x1  }
0xc9: {  	_ =	sfence.sel $0xFFFF  }
0xca: {  	[dreg:$0x0] =	wrdreg $0xFFFFFFFF;
	(pc) =	sbr.abs _section_cstart, $3  }
0xcb: {  	[dreg:$0x1] =	wrdreg $0xFFFFFFFF  }
0xcc: {  	_ =	task.clear_ibuf [dreg:s10], $0x2FFFF;
	_ =	strace $0x9FFFFFFF  }
0xcd: {  	(tm) =	ssettm $0x7FFFFFFF  }
tec
execute0_lowered:
.L_overlay_start_1:
0x0: {  	(tag) =	ssettag $0x1  }
0x1: {  	s6 =	rddreg [dreg:$0x0]  }
0x2: {  	s1 =	rddreg [dreg:$0x1];
	s3 =	srdreg.scid  }
0x3: {  	s0 =	stileid.u32;
	s2 =	rddreg [dreg:$0x2]  }
0x4: {  	s4 =	rddreg [dreg:$0x3];
	s7 =	sand.u32 $0x1, s3;
	s31 =	sshll.u32 s0, $0x1  }
0x5: {  	s8 =	rddreg [dreg:$0x4];
	s5 =	simm.s32 $0x0;
	s3 =	sor.u32 s7, s31  }
0x6: {  	s12 =	simm.s32 $0x8C80;
	s13 =	simm.s32 $0x0;
	s11 =	smul.u32 $0xC40, s3  }
.Ltmp0:
0x7: {  	[smem:$0x7FF] =	sst s5;
	s7 =	ssub.s32 $0x2, s7;
	(pc) =	sbr.rel .LBB2_1-.Ltmp0, $4  }
0x8: {  	s3 =	rddreg [dreg:$0x5];
	_ =	strace $0x80000047;
	s10 =	sshrl.u32 s7, $0x1  }
0x9: {  	s10 =	ssub.s32 s7, s10;
	s9 =	sshrl.u32 s11, $0x3;
	v0 =	vmov s11;
	s11 =	simm.s32 $0x4C80  }
0xa: {  	s8 =	sadd.s32 s9, s8;
	s6 =	sadd.s32 s6, s9;
	s9 =	simm.s32 $0x1  }
0xb: {  	v1 =	vimm.f32 $0.0e+00;
	s7 =	sadd.s32 $0x3800, s8;
	s8 =	smax.u32 s10, $0x1;
	s10 =	simm.s32 $0xC80  }
.LBB2_11:
0xc: {  	s13 =	sadd.s32 $0x1, s13  }
0xd: {  	p0 =	sne.s32 s13, s8  }
.Ltmp1:
0xe: {  	_ = 	snop;
	(pc) =	sbr.rel @!p0 .LBB2_12-.Ltmp1, $4  }
0xf: {  	[hbm4b:s7+s5] =	stream.linear.scatter [tilespmem:s5], [sflag:$0x1], $0xC40, $0x38;
	[tilespmem:$0xCC80] =	vst v63  }
0x10: {  	_ =	swait.ge [sflag:s9], $0xC40  }
0x11: {  	[sflag:s9] =	ssyncset.done $0x0  }
0x12: {  	[sflag:s9] =	ssyncadd.s32 $0xFFFFF3C0  }
.LBB2_1:
0x13: {  	[tilespmem:s5], [sflag:$0x1] =	stream.linear.gather [hbm4b:s6+s5], $0xC40, $0x38;
	[tilespmem:$0xCC80] =	vst v63  }
0x14: {  	_ =	swait.ge [sflag:s9], $0xC40  }
0x15: {  	[sflag:s9] =	ssyncset.done $0x0  }
0x16: {  	[sflag:s9] =	ssyncadd.s32 $0xFFFFF3C0  }
0x17: {  	[tilespmem:s10], [sflag:$0x1] =	stream.linear.gather [hbm4b:s1+s5], $0x4000, $0x38;
	[tilespmem:$0xCC80] =	vst v63  }
0x18: {  	_ =	swait.ge [sflag:s9], $0x4000  }
0x19: {  	[sflag:s9] =	ssyncset.done $0x0  }
0x1a: {  	[sflag:s9] =	ssyncadd.s32 $0xFFFFC000  }
0x1b: {  	[tilespmem:s11], [sflag:$0x1] =	stream.linear.gather [hbm4b:s2+s5], $0x4000, $0x38;
	[tilespmem:$0xCC80] =	vst v63  }
0x1c: {  	_ =	swait.ge [sflag:s9], $0x4000  }
0x1d: {  	[sflag:s9] =	ssyncset.done $0x0  }
.Ltmp2:
0x1e: {  	[sflag:s9] =	ssyncadd.s32 $0xFFFFC000;
	(pc) =	sbr.rel .LBB2_2-.Ltmp2, $4  }
0x1f: {  	[tilespmem:s12], [sflag:$0x1] =	stream.linear.gather [hbm4b:s4+s5], $0x4000, $0x38;
	[tilespmem:$0xCC80] =	vst v63  }
0x20: {  	_ =	swait.ge [sflag:s9], $0x4000  }
0x21: {  	[sflag:s9] =	ssyncset.done $0x0  }
0x22: {  	s14 =	simm.s32 $0x0;
	[sflag:s9] =	ssyncadd.s32 $0xFFFFC000  }
.LBB2_10:
0x23: {  	s14 =	sadd.s32 $0x1, s14  }
0x24: {  	p0 =	sne.s32 s14, $0x100  }
.Ltmp3:
0x25: {  	_ = 	snop;
	(pc) =	sbr.rel @!p0 .LBB2_11-.Ltmp3, $1  }
0x26: {  	_ =	sdelay $0x3  }
.LBB2_2:
0x27: {  	s15 =	sshll.u32 s14, $0x6  }
0x28: {  	v2 =	vld [tilespmem:s15+$0xC80];
	_ =	sdelay $0x4  }
0x29: {  	v2 =	vsub.s32 v2, v0  }
0x2a: {  	vm0 =	vlt.u32 v2, $0xC40;
	_ =	sdelay $0x2  }
0x2b: {  	v3 =	vld [tilespmem:s15+$0x4C80]  }
0x2c: {  	v4 =	vld [tilespmem:s15+$0x8C80];
	_ =	sdelay $0x1  }
0x2d: {  	v5 =	vld.idx.msk [tilespmem:v2+s5+$0x0], vm0;
	_ =	sdelay $0x2  }
0x2e: {  	vm1 =	vgt.s32 v3, v4  }
0x2f: {  	v3 =	vsel vm1, v3, v4  }
0x30: {  	vm1 =	vlt.s32 v5, v3  }
0x31: {  	vm0 =	vmand vm0, vm1  }
0x32: {  	v4 =	vsel vm0, $0x3F800000, v1  }
0x33: {  	(xrf0) =	vmax.scan.msk.f32 $0xffff, v4;
	_ =	sdelay $0x5  }
0x34: {  	v4, _, _ =	vpop (xrf0)  }
0x35: {  	(v2sf) =	vpush v4, $0xF;
	_ =	sdelay $0xe  }
0x36: {  	s16 =	spop (v2sf)  }
0x37: {  	p0 =	sgt.f32 s16, $0.0e+00  }
.Ltmp4:
0x38: {  	_ = 	snop;
	(pc) =	sbr.rel @!p0 .LBB2_4-.Ltmp4, $1  }
0x39: {  	_ =	sdelay $0x3  }
.LBB2_3:
0x3a: {  	[tilespmem:v2+s5+$0x0] =	vst.idx.msk vm0, v3  }
0x3b: {  	v4 =	vld.idx.msk [tilespmem:v2+s5+$0x0], vm0;
	_ =	sdelay $0x4  }
0x3c: {  	vm1 =	vlt.s32 v4, v3  }
0x3d: {  	vm0 =	vmand vm0, vm1  }
0x3e: {  	v4 =	vsel vm0, $0x3F800000, v1  }
0x3f: {  	(xrf0) =	vmax.scan.msk.f32 $0xffff, v4;
	_ =	sdelay $0x5  }
0x40: {  	v4, _, _ =	vpop (xrf0)  }
0x41: {  	(v2sf) =	vpush v4, $0xF;
	_ =	sdelay $0xe  }
0x42: {  	s16 =	spop (v2sf)  }
0x43: {  	p0 =	sgt.f32 s16, $0.0e+00  }
.Ltmp5:
0x44: {  	_ = 	snop;
	(pc) =	sbr.rel @p0 .LBB2_3-.Ltmp5, $1  }
0x45: {  	_ =	sdelay $0x3  }
.LBB2_4:
0x46: {  	v2 =	vld [tilespmem:s15+$0xC90];
	_ =	sdelay $0x4  }
0x47: {  	v2 =	vsub.s32 v2, v0  }
0x48: {  	vm0 =	vlt.u32 v2, $0xC40;
	_ =	sdelay $0x2  }
0x49: {  	v3 =	vld [tilespmem:s15+$0x4C90]  }
0x4a: {  	v4 =	vld [tilespmem:s15+$0x8C90];
	_ =	sdelay $0x1  }
0x4b: {  	v5 =	vld.idx.msk [tilespmem:v2+s5+$0x0], vm0;
	_ =	sdelay $0x2  }
0x4c: {  	vm1 =	vgt.s32 v3, v4  }
0x4d: {  	v3 =	vsel vm1, v3, v4  }
0x4e: {  	vm1 =	vlt.s32 v5, v3  }
0x4f: {  	vm0 =	vmand vm0, vm1  }
0x50: {  	v4 =	vsel vm0, $0x3F800000, v1  }
0x51: {  	(xrf0) =	vmax.scan.msk.f32 $0xffff, v4;
	_ =	sdelay $0x5  }
0x52: {  	v4, _, _ =	vpop (xrf0)  }
0x53: {  	(v2sf) =	vpush v4, $0xF;
	_ =	sdelay $0xe  }
0x54: {  	s16 =	spop (v2sf)  }
0x55: {  	p0 =	sgt.f32 s16, $0.0e+00  }
.Ltmp6:
0x56: {  	_ = 	snop;
	(pc) =	sbr.rel @!p0 .LBB2_6-.Ltmp6, $1  }
0x57: {  	_ =	sdelay $0x3  }
.LBB2_5:
0x58: {  	[tilespmem:v2+s5+$0x0] =	vst.idx.msk vm0, v3  }
0x59: {  	v4 =	vld.idx.msk [tilespmem:v2+s5+$0x0], vm0;
	_ =	sdelay $0x4  }
0x5a: {  	vm1 =	vlt.s32 v4, v3  }
0x5b: {  	vm0 =	vmand vm0, vm1  }
0x5c: {  	v4 =	vsel vm0, $0x3F800000, v1  }
0x5d: {  	(xrf0) =	vmax.scan.msk.f32 $0xffff, v4;
	_ =	sdelay $0x5  }
0x5e: {  	v4, _, _ =	vpop (xrf0)  }
0x5f: {  	(v2sf) =	vpush v4, $0xF;
	_ =	sdelay $0xe  }
0x60: {  	s16 =	spop (v2sf)  }
0x61: {  	p0 =	sgt.f32 s16, $0.0e+00  }
.Ltmp7:
0x62: {  	_ = 	snop;
	(pc) =	sbr.rel @p0 .LBB2_5-.Ltmp7, $1  }
0x63: {  	_ =	sdelay $0x3  }
.LBB2_6:
0x64: {  	v2 =	vld [tilespmem:s15+$0xCA0];
	_ =	sdelay $0x4  }
0x65: {  	v2 =	vsub.s32 v2, v0  }
0x66: {  	vm0 =	vlt.u32 v2, $0xC40;
	_ =	sdelay $0x2  }
0x67: {  	v3 =	vld [tilespmem:s15+$0x4CA0]  }
0x68: {  	v4 =	vld [tilespmem:s15+$0x8CA0];
	_ =	sdelay $0x1  }
0x69: {  	v5 =	vld.idx.msk [tilespmem:v2+s5+$0x0], vm0;
	_ =	sdelay $0x2  }
0x6a: {  	vm1 =	vgt.s32 v3, v4  }
0x6b: {  	v3 =	vsel vm1, v3, v4  }
0x6c: {  	vm1 =	vlt.s32 v5, v3  }
0x6d: {  	vm0 =	vmand vm0, vm1  }
0x6e: {  	v4 =	vsel vm0, $0x3F800000, v1  }
0x6f: {  	(xrf0) =	vmax.scan.msk.f32 $0xffff, v4;
	_ =	sdelay $0x5  }
0x70: {  	v4, _, _ =	vpop (xrf0)  }
0x71: {  	(v2sf) =	vpush v4, $0xF;
	_ =	sdelay $0xe  }
0x72: {  	s16 =	spop (v2sf)  }
0x73: {  	p0 =	sgt.f32 s16, $0.0e+00  }
.Ltmp8:
0x74: {  	_ = 	snop;
	(pc) =	sbr.rel @!p0 .LBB2_8-.Ltmp8, $1  }
0x75: {  	_ =	sdelay $0x3  }
.LBB2_7:
0x76: {  	[tilespmem:v2+s5+$0x0] =	vst.idx.msk vm0, v3  }
0x77: {  	v4 =	vld.idx.msk [tilespmem:v2+s5+$0x0], vm0;
	_ =	sdelay $0x4  }
0x78: {  	vm1 =	vlt.s32 v4, v3  }
0x79: {  	vm0 =	vmand vm0, vm1  }
0x7a: {  	v4 =	vsel vm0, $0x3F800000, v1  }
0x7b: {  	(xrf0) =	vmax.scan.msk.f32 $0xffff, v4;
	_ =	sdelay $0x5  }
0x7c: {  	v4, _, _ =	vpop (xrf0)  }
0x7d: {  	(v2sf) =	vpush v4, $0xF;
	_ =	sdelay $0xe  }
0x7e: {  	s16 =	spop (v2sf)  }
0x7f: {  	p0 =	sgt.f32 s16, $0.0e+00  }
.Ltmp9:
0x80: {  	_ = 	snop;
	(pc) =	sbr.rel @p0 .LBB2_7-.Ltmp9, $1  }
0x81: {  	_ =	sdelay $0x3  }
.LBB2_8:
0x82: {  	v2 =	vld [tilespmem:s15+$0xCB0];
	_ =	sdelay $0x4  }
0x83: {  	v2 =	vsub.s32 v2, v0  }
0x84: {  	vm0 =	vlt.u32 v2, $0xC40;
	_ =	sdelay $0x2  }
0x85: {  	v3 =	vld [tilespmem:s15+$0x4CB0]  }
0x86: {  	v4 =	vld [tilespmem:s15+$0x8CB0];
	_ =	sdelay $0x1  }
0x87: {  	v5 =	vld.idx.msk [tilespmem:v2+s5+$0x0], vm0;
	_ =	sdelay $0x2  }
0x88: {  	vm1 =	vgt.s32 v3, v4  }
0x89: {  	v3 =	vsel vm1, v3, v4  }
0x8a: {  	vm1 =	vlt.s32 v5, v3  }
0x8b: {  	vm0 =	vmand vm0, vm1  }
0x8c: {  	v4 =	vsel vm0, $0x3F800000, v1  }
0x8d: {  	(xrf0) =	vmax.scan.msk.f32 $0xffff, v4;
	_ =	sdelay $0x5  }
0x8e: {  	v4, _, _ =	vpop (xrf0)  }
0x8f: {  	(v2sf) =	vpush v4, $0xF;
	_ =	sdelay $0xe  }
0x90: {  	s31 =	spop (v2sf)  }
0x91: {  	p0 =	sgt.f32 s31, $0.0e+00  }
.Ltmp10:
0x92: {  	_ = 	snop;
	(pc) =	sbr.rel @!p0 .LBB2_10-.Ltmp10, $1  }
0x93: {  	_ =	sdelay $0x3  }
.LBB2_9:
0x94: {  	[tilespmem:v2+s5+$0x0] =	vst.idx.msk vm0, v3  }
0x95: {  	v4 =	vld.idx.msk [tilespmem:v2+s5+$0x0], vm0;
	_ =	sdelay $0x4  }
0x96: {  	vm1 =	vlt.s32 v4, v3  }
0x97: {  	vm0 =	vmand vm0, vm1  }
0x98: {  	v4 =	vsel vm0, $0x3F800000, v1  }
0x99: {  	(xrf0) =	vmax.scan.msk.f32 $0xffff, v4;
	_ =	sdelay $0x5  }
0x9a: {  	v4, _, _ =	vpop (xrf0)  }
0x9b: {  	(v2sf) =	vpush v4, $0xF;
	_ =	sdelay $0xe  }
0x9c: {  	s15 =	spop (v2sf)  }
0x9d: {  	p0 =	sgt.f32 s15, $0.0e+00  }
.Ltmp11:
0x9e: {  	_ = 	snop;
	(pc) =	sbr.rel @p0 .LBB2_9-.Ltmp11, $1  }
0x9f: {  	_ =	sdelay $0x3  }
.Ltmp12:
0xa0: {  	_ = 	snop;
	(pc) =	sbr.rel .LBB2_10-.Ltmp12, $1  }
0xa1: {  	_ =	sdelay $0x3  }
.LBB2_12:
0xa2: {  	_ =	sfence.sel $0x180000  }
0xa3: {  	[bflag:$0x0] =	sbarrier.arrive $0xFFFF  }
0xa4: {  	p0 =	sne.s32 s0, $0x0;
	_ =	strace $0x90000047  }
0xa5: {  	s0 =	sadd.s32 @!p0 $0x100000, s3;
	[bflag:$0x2] =	sbarrier.arrive $0xFFFF  }
0xa6: {  	[sflag:s0] =	ssyncadd.tile.s32 @!p0 $0x1;
	_ =	shalt  }
.Lfunc_end2:
_tile_overlayer_lowered:
.L_overlay_start_2:
0xa7: {  	(tag) =	ssettag $0x2  }
0xa8: {  	s0 =	rddreg [dreg:$0x0];
	s2 =	stileid.u32  }
0xa9: {  	s1 =	rddreg [dreg:$0x1];
	p0 =	sne.s32 s2, $0x0  }
0xaa: {  	s3 =	rddreg [dreg:$0x2];
	[bflag:$0x3] =	sbarrier.arrive $0xFFFF;
	s2 =	simm.s32 @!p0 $0x1C01  }
0xab: {  	[timem:s3], [sflag:s2] =	dma.local @!p0 [hbm:s0], s1  }
0xac: {  	s0 =	simm.s32 @!p0 $0x1  }
0xad: {  	_ =	swait.ge @!p0 [sflag:s0], s1  }
0xae: {  	s1 =	ssub.s32 @!p0 $0x0, s1;
	[sflag:s0] =	ssyncset.done @!p0 $0x0  }
0xaf: {  	[sflag:s0] =	ssyncadd.s32 @!p0 s1  }
0xb0: {  	[bflag:$0x3] =	sbarrier.arrive $0xFFFF  }
0xb1: {  	_ =	shalt  }

</sc_bundles>
